<compile_context>
chip_gen: v7x
topology: tpu7x:2x2x1
jax: 0.10.2.dev20260603
libtpu: 0.0.44.dev20260713+nightly
codegen_flags: <defaults>
</compile_context>

<pallas_src>
import functools

import jax
import jax.numpy as jnp
from jax import lax
from jax.experimental import pallas as pl
from jax.experimental.pallas import tpu as pltpu
from jax.experimental.pallas import tpu_sc as plsc

B = 1024
S = 200
D = 64
N = B * S
V = 1000000
NC = 2
NS = 16
NW = NC * NS
W = 384
NB = V // W
TAIL = V - NB * W
BPW = (NB + NW - 1) // NW
CHUNK = 128
PER_W = N // NW
CHUNKS_W = PER_W // CHUNK
CPS = B // CHUNK

_mesh = plsc.VectorSubcoreMesh(core_axis_name="c", subcore_axis_name="s")
_params = pltpu.CompilerParams(
    use_tc_tiling_on_sc=True, needs_layout_passes=False)


@functools.partial(
    pl.kernel,
    mesh=_mesh,
    compiler_params=_params,
    out_type=jax.ShapeDtypeStruct((V // 2, 2 * D), jnp.float32),
    scratch_types=[
        pltpu.VMEM((2, D, W), jnp.float32),
        pltpu.VMEM((2, W // 2, 2 * D), jnp.float32),
        pltpu.VMEM((D, TAIL), jnp.float32),
        pltpu.SemaphoreType.DMA,
        pltpu.SemaphoreType.DMA,
        pltpu.SemaphoreType.DMA,
        pltpu.SemaphoreType.DMA,
    ],
)
def _format(wt_hbm, fmt_hbm, ibufs, obufs, tbuf, gi0, gi1, go0, go1):
    wid = lax.axis_index("s") * NC + lax.axis_index("c")
    c0 = wid * BPW
    gisem = (gi0, gi1)
    gosem = (go0, go1)
    lanes = lax.iota(jnp.int32, 16)

    def in_copy(c, b):
        return pltpu.make_async_copy(
            wt_hbm.at[:, pl.ds(c * W, W)], ibufs.at[b], gisem[b])

    def out_copy(c, b):
        return pltpu.make_async_copy(
            obufs.at[b], fmt_hbm.at[pl.ds(c * (W // 2), W // 2)], gosem[b])

    def transpose(src, dst, nrows):
        @functools.partial(plsc.parallel_loop, 0, nrows // 2, unroll=8)
        def _(p):
            for h in range(2):
                vvec = lanes * 0 + (2 * p + h)
                for k in range(D // 16):
                    vals = plsc.load_gather(src, [k * 16 + lanes, vvec])
                    dst[p, pl.ds(h * D + k * 16, 16)] = vals

    @pl.when(c0 < NB)
    def _():
        in_copy(c0, 0).start()

    @pl.when(c0 + 1 < NB)
    def _():
        in_copy(c0 + 1, 1).start()

    def body(jj, carry):
        for b in range(2):
            j = 2 * jj + b
            c = c0 + j

            @pl.when(jnp.logical_and(j < BPW, c < NB))
            def _():
                in_copy(c, b).wait()

                @pl.when(j >= 2)
                def _():
                    out_copy(c - 2, b).wait()

                transpose(ibufs.at[b], obufs.at[b], W)

                @pl.when(jnp.logical_and(j + 2 < BPW, c + 2 < NB))
                def _():
                    in_copy(c + 2, b).start()

                out_copy(c, b).start()

        return carry

    lax.fori_loop(0, BPW // 2 + 1, body, 0)

    out_copy(c0, 0).wait()
    out_copy(c0, 1).wait()

    @pl.when(wid == NW - 1)
    def _():
        pltpu.sync_copy(wt_hbm.at[:, pl.ds(NB * W, TAIL)], tbuf)
        transpose(tbuf, obufs.at[0], TAIL)
        pltpu.sync_copy(obufs.at[0, pl.ds(0, TAIL // 2)],
                        fmt_hbm.at[pl.ds(NB * W // 2, TAIL // 2)])


@functools.partial(
    pl.kernel,
    mesh=_mesh,
    compiler_params=_params,
    out_type=jax.ShapeDtypeStruct((S, D, B), jnp.float32),
    scratch_types=[
        pltpu.VMEM((CHUNKS_W, CHUNK), jnp.int32),
        pltpu.VMEM((CHUNKS_W, CHUNK), jnp.int32),
        pltpu.VMEM((3, CHUNK, 2 * D), jnp.float32),
        pltpu.VMEM((3, D, CHUNK), jnp.float32),
        pltpu.SemaphoreType.DMA,
        pltpu.SemaphoreType.DMA,
        pltpu.SemaphoreType.DMA,
        pltpu.SemaphoreType.DMA,
        pltpu.SemaphoreType.DMA,
        pltpu.SemaphoreType.DMA,
    ],
)
def _gather(idx_hbm, table_hbm, out_hbm, idx_v, idx2_v, bufs, packs,
            g0, g1, g2, w0, w1, w2):
    wid = lax.axis_index("s") * NC + lax.axis_index("c")
    chunk0 = wid * CHUNKS_W
    gsem = (g0, g1, g2)
    wsem = (w0, w1, w2)
    lanes = lax.iota(jnp.int32, 16)
    pltpu.sync_copy(idx_hbm.at[wid], idx_v)

    def shift_body(j, carry):
        for g in range(CHUNK // 16):
            v = idx_v[j, pl.ds(g * 16, 16)]
            idx2_v[j, pl.ds(g * 16, 16)] = lax.shift_right_logical(v, 1)
        return carry

    lax.fori_loop(0, CHUNKS_W, shift_body, 0)

    def start_gather(j, b):
        pltpu.async_copy(table_hbm.at[idx2_v.at[j]], bufs.at[b], gsem[b])

    def drain_gather(j, b):
        pltpu.make_async_copy(
            table_hbm.at[idx2_v.at[j]], bufs.at[b], gsem[b]).wait()

    def compact(j, b):
        buf = bufs.at[b]
        rows_l = [g * 16 + lanes for g in range(CHUNK // 16)]
        half_l = [
            lax.mul(lax.bitwise_and(idx_v[j, pl.ds(g * 16, 16)], 1), D)
            for g in range(CHUNK // 16)
        ]

        @functools.partial(plsc.parallel_loop, 0, D, unroll=8)
        def _(d):
            for g in range(CHUNK // 16):
                vals = plsc.load_gather(buf, [rows_l[g], half_l[g] + d])
                packs[b, d, pl.ds(g * 16, 16)] = vals

    def writeback(j, b):
        c_g = chunk0 + j
        s_i = lax.div(c_g, CPS)
        b0 = lax.mul(lax.rem(c_g, CPS), CHUNK)
        return pltpu.make_async_copy(
            packs.at[b], out_hbm.at[s_i, :, pl.ds(b0, CHUNK)], wsem[b])

    start_gather(0, 0)
    start_gather(1, 1)

    def body(jj, carry):
        for t in range(3):
            j = 3 * jj + t

            @pl.when(j < CHUNKS_W)
            def _():
                drain_gather(j, t)

                @pl.when(j >= 3)
                def _():
                    writeback(j - 3, t).wait()

                compact(j, t)

                @pl.when(j + 2 < CHUNKS_W)
                def _():
                    start_gather(j + 2, (t + 2) % 3)

                writeback(j, t).start()
        return carry

    lax.fori_loop(0, CHUNKS_W // 3 + 1, body, 0)
    writeback(CHUNKS_W - 3, (CHUNKS_W - 3) % 3).wait()
    writeback(CHUNKS_W - 2, (CHUNKS_W - 2) % 3).wait()
    writeback(CHUNKS_W - 1, (CHUNKS_W - 1) % 3).wait()


def _mask_body(x_ref, o_ref):
    o_ref[...] = (x_ref[...] != 0).astype(jnp.float32)


_mask_call = pl.pallas_call(
    _mask_body,
    out_shape=jax.ShapeDtypeStruct((B, S), jnp.float32),
)


def kernel(x, weight):
    wt = jnp.transpose(weight)
    fmt = _format(wt)
    xt = jnp.transpose(x).reshape(NW, CHUNKS_W, CHUNK).astype(jnp.int32)
    out = _gather(xt, fmt)
    mask = _mask_call(x)
    return jnp.transpose(out, (0, 2, 1)), mask

# --- scband reference (transcript-rebuilt; emitter-appended) ---
"""Pipeline reference for scband-glove-embedding-86517821211610 (READ-ONLY COPY).

The authoritative reference and input builder live on the scoring server;
editing this copy changes nothing except your own understanding.
"""

import jax, jax.numpy as jnp
import numpy as np

VOCAB = 1000000
EMBED_DIM = 64
BATCH = 1024
SEQ_LEN = 200


def setup_inputs(seed: int = 0) -> dict:
    key = jax.random.key(seed)
    k_idx, k_w = jax.random.split(key)
    x = jax.random.randint(k_idx, (BATCH, SEQ_LEN), 0, VOCAB, dtype=jnp.int64 if jax.config.jax_enable_x64 else jnp.int32)
    weight = jax.random.normal(k_w, (VOCAB, EMBED_DIM), dtype=jnp.float32)
    return {"x": x, "weight": weight}


def reference(x, weight):
    # compute_mask: mask of non-padding (padding_idx=0)
    mask = jnp.not_equal(x, 0).astype(jnp.float32)  # (batch, seq_len)
    # embedding lookup
    tmp_emb = jnp.take(weight, x, axis=0)  # (batch, seq_len, embed_dim)
    # transpose(0, 1) -> (seq_len, batch, embed_dim)
    out_emb = jnp.transpose(tmp_emb, (1, 0, 2))
    return (out_emb, mask)

if __name__ == "__main__":
    import jax
    _d = setup_inputs()
    print(jax.jit(kernel)(*tuple(_d.values())))

</pallas_src>

<mosaic_0001>
#map = affine_map<(d0, d1) -> (0, 0)>
module attributes {stable_mosaic.version = 14 : i64} {
  func.func @_format(%arg0: i32, %arg1: i32, %arg2: memref<64x1000000xf32, #tpu.memory_space<hbm>>, %arg3: memref<500000x128xf32, #tpu.memory_space<hbm>>, %arg4: memref<2x64x384xf32, #tpu.memory_space<vmem>>, %arg5: memref<2x192x128xf32, #tpu.memory_space<vmem>>, %arg6: memref<64x64xf32, #tpu.memory_space<vmem>>, %arg7: memref<!tpu.dma_semaphore, #tpu.memory_space<semaphore_mem>>, %arg8: memref<!tpu.dma_semaphore, #tpu.memory_space<semaphore_mem>>, %arg9: memref<!tpu.dma_semaphore, #tpu.memory_space<semaphore_mem>>, %arg10: memref<!tpu.dma_semaphore, #tpu.memory_space<semaphore_mem>>) attributes {dimension_semantics = [#tpu.dimension_semantics<core_parallel>, #tpu.dimension_semantics<subcore_parallel>], iteration_bounds = array<i64: 2, 16>, scalar_prefetch = 0 : i64, scratch_operands = 7 : i64, tpu.core_type = #tpu.core_type<sc_vector_subcore>, window_params = [{transform_indices = #map}, {transform_indices = #map}]} {
    %mul3A = arith.constant 2 : i32
    %mul3A_0 = arith.muli %arg1, %mul3A : i32
    %add3A = arith.addi %mul3A_0, %arg0 : i32
    %mul3A_1 = arith.constant 82 : i32
    %mul3A_2 = arith.muli %add3A, %mul3A_1 : i32
    %iota3A = tpu.iota {dimensions = array<i32: 0>} : vector<16xi32>
    %lt3A = arith.constant 2604 : i32
    %lt3A_3 = arith.cmpi slt, %mul3A_2, %lt3A : i32
    %convert_element_type3A = arith.extui %lt3A_3 : i1 to i32
    %cond3A = arith.constant 0 : i32
    %cond3A_4 = arith.cmpi ne, %convert_element_type3A, %cond3A : i32
    scf.if %cond3A_4 {
      %mul3A_50 = arith.constant 384 : i32
      %mul3A_51 = arith.muli %mul3A_2, %mul3A_50 : i32
      %dma_start3A = arith.constant 0 : i32
      %dma_start3A_52 = arith.constant 0 : i32
      %dma_start3A_53 = arith.constant 0 : i32
      %dma_start3A_54 = tpu.memref_slice %arg4[%dma_start3A, %dma_start3A_52, %dma_start3A_53] : memref<2x64x384xf32, #tpu.memory_space<vmem>> -> memref<1x64x384xf32, #tpu.memory_space<vmem>>
      %dma_start3A_55 = tpu.memref_squeeze %dma_start3A_54 : memref<1x64x384xf32, #tpu.memory_space<vmem>> -> memref<64x384xf32, #tpu.memory_space<vmem>>
      %dma_start3A_56 = arith.constant 0 : i32
      %dma_start3A_57 = tpu.memref_slice %arg2[%dma_start3A_56, %mul3A_51] : memref<64x1000000xf32, #tpu.memory_space<hbm>> -> memref<64x384xf32, #tpu.memory_space<hbm>>
      %dma_start3A_58 = arith.constant 0 : i32
      %dma_start3A_59 = arith.constant 0 : i32
      %dma_start3A_60 = tpu.memref_slice %arg4[%dma_start3A, %dma_start3A_58, %dma_start3A_59] : memref<2x64x384xf32, #tpu.memory_space<vmem>> -> memref<1x64x384xf32, #tpu.memory_space<vmem>>
      %dma_start3A_61 = tpu.memref_squeeze %dma_start3A_60 : memref<1x64x384xf32, #tpu.memory_space<vmem>> -> memref<64x384xf32, #tpu.memory_space<vmem>>
      %dma_start3A_62 = arith.constant 0 : i32
      %dma_start3A_63 = tpu.memref_slice %arg2[%dma_start3A_62, %mul3A_51] : memref<64x1000000xf32, #tpu.memory_space<hbm>> -> memref<64x384xf32, #tpu.memory_space<hbm>>
      tpu.enqueue_dma source(%dma_start3A_63 : memref<64x384xf32, #tpu.memory_space<hbm>>) target(%dma_start3A_61 : memref<64x384xf32, #tpu.memory_space<vmem>>) target_semaphore(%arg7 : memref<!tpu.dma_semaphore, #tpu.memory_space<semaphore_mem>>)
    } else {
    }
    %add3A_5 = arith.constant 1 : i32
    %add3A_6 = arith.addi %mul3A_2, %add3A_5 : i32
    %lt3A_7 = arith.constant 2604 : i32
    %lt3A_8 = arith.cmpi slt, %add3A_6, %lt3A_7 : i32
    %convert_element_type3A_9 = arith.extui %lt3A_8 : i1 to i32
    %cond3A_10 = arith.constant 0 : i32
    %cond3A_11 = arith.cmpi ne, %convert_element_type3A_9, %cond3A_10 : i32
    scf.if %cond3A_11 {
      %add3A_50 = arith.constant 1 : i32
      %add3A_51 = arith.addi %mul3A_2, %add3A_50 : i32
      %mul3A_52 = arith.constant 384 : i32
      %mul3A_53 = arith.muli %add3A_51, %mul3A_52 : i32
      %dma_start3A = arith.constant 1 : i32
      %dma_start3A_54 = arith.constant 0 : i32
      %dma_start3A_55 = arith.constant 0 : i32
      %dma_start3A_56 = tpu.memref_slice %arg4[%dma_start3A, %dma_start3A_54, %dma_start3A_55] : memref<2x64x384xf32, #tpu.memory_space<vmem>> -> memref<1x64x384xf32, #tpu.memory_space<vmem>>
      %dma_start3A_57 = tpu.memref_squeeze %dma_start3A_56 : memref<1x64x384xf32, #tpu.memory_space<vmem>> -> memref<64x384xf32, #tpu.memory_space<vmem>>
      %dma_start3A_58 = arith.constant 0 : i32
      %dma_start3A_59 = tpu.memref_slice %arg2[%dma_start3A_58, %mul3A_53] : memref<64x1000000xf32, #tpu.memory_space<hbm>> -> memref<64x384xf32, #tpu.memory_space<hbm>>
      %dma_start3A_60 = arith.constant 0 : i32
      %dma_start3A_61 = arith.constant 0 : i32
      %dma_start3A_62 = tpu.memref_slice %arg4[%dma_start3A, %dma_start3A_60, %dma_start3A_61] : memref<2x64x384xf32, #tpu.memory_space<vmem>> -> memref<1x64x384xf32, #tpu.memory_space<vmem>>
      %dma_start3A_63 = tpu.memref_squeeze %dma_start3A_62 : memref<1x64x384xf32, #tpu.memory_space<vmem>> -> memref<64x384xf32, #tpu.memory_space<vmem>>
      %dma_start3A_64 = arith.constant 0 : i32
      %dma_start3A_65 = tpu.memref_slice %arg2[%dma_start3A_64, %mul3A_53] : memref<64x1000000xf32, #tpu.memory_space<hbm>> -> memref<64x384xf32, #tpu.memory_space<hbm>>
      tpu.enqueue_dma source(%dma_start3A_65 : memref<64x384xf32, #tpu.memory_space<hbm>>) target(%dma_start3A_63 : memref<64x384xf32, #tpu.memory_space<vmem>>) target_semaphore(%arg8 : memref<!tpu.dma_semaphore, #tpu.memory_space<semaphore_mem>>)
    } else {
    }
    %scan3A = arith.constant 0 : i32
    %scan3A_12 = arith.constant 0 : i32
    %scan3A_13 = arith.constant 42 : i32
    %scan3A_14 = arith.addi %scan3A_12, %scan3A_13 : i32
    %scan3A_15 = arith.constant 1 : i32
    scf.for %scan3A_50 = %scan3A_12 to %scan3A_14 step %scan3A_15  : i32 {
      %mul3A_51 = arith.constant 2 : i32
      %mul3A_52 = arith.muli %mul3A_51, %scan3A_50 : i32
      %add3A_53 = arith.constant 0 : i32
      %add3A_54 = arith.addi %mul3A_52, %add3A_53 : i32
      %add3A_55 = arith.addi %mul3A_2, %add3A_54 : i32
      %lt3A_56 = arith.constant 82 : i32
      %lt3A_57 = arith.cmpi slt, %add3A_54, %lt3A_56 : i32
      %lt3A_58 = arith.constant 2604 : i32
      %lt3A_59 = arith.cmpi slt, %add3A_55, %lt3A_58 : i32
      %and3A = arith.andi %lt3A_57, %lt3A_59 : i1
      %convert_element_type3A_60 = arith.extui %and3A : i1 to i32
      %cond3A_61 = arith.constant 0 : i32
      %cond3A_62 = arith.cmpi ne, %convert_element_type3A_60, %cond3A_61 : i32
      scf.if %cond3A_62 {
        %mul3A_76 = arith.constant 384 : i32
        %mul3A_77 = arith.muli %add3A_55, %mul3A_76 : i32
        %dma_wait3A_78 = arith.constant 0 : i32
        %dma_wait3A_79 = arith.constant 0 : i32
        %dma_wait3A_80 = arith.constant 0 : i32
        %dma_wait3A_81 = tpu.memref_slice %arg4[%dma_wait3A_78, %dma_wait3A_79, %dma_wait3A_80] : memref<2x64x384xf32, #tpu.memory_space<vmem>> -> memref<1x64x384xf32, #tpu.memory_space<vmem>>
        %dma_wait3A_82 = tpu.memref_squeeze %dma_wait3A_81 : memref<1x64x384xf32, #tpu.memory_space<vmem>> -> memref<64x384xf32, #tpu.memory_space<vmem>>
        %dma_wait3A_83 = arith.constant 0 : i32
        %dma_wait3A_84 = tpu.memref_slice %arg2[%dma_wait3A_83, %mul3A_77] : memref<64x1000000xf32, #tpu.memory_space<hbm>> -> memref<64x384xf32, #tpu.memory_space<hbm>>
        %dma_wait3A_85 = arith.constant 0 : i32
        %dma_wait3A_86 = arith.constant 0 : i32
        %dma_wait3A_87 = tpu.memref_slice %arg4[%dma_wait3A_78, %dma_wait3A_85, %dma_wait3A_86] : memref<2x64x384xf32, #tpu.memory_space<vmem>> -> memref<1x64x384xf32, #tpu.memory_space<vmem>>
        %dma_wait3A_88 = tpu.memref_squeeze %dma_wait3A_87 : memref<1x64x384xf32, #tpu.memory_space<vmem>> -> memref<64x384xf32, #tpu.memory_space<vmem>>
        %dma_wait3A_89 = arith.constant 0 : i32
        %dma_wait3A_90 = tpu.memref_slice %arg2[%dma_wait3A_89, %mul3A_77] : memref<64x1000000xf32, #tpu.memory_space<hbm>> -> memref<64x384xf32, #tpu.memory_space<hbm>>
        tpu.wait_dma2 semaphore(%arg7 : memref<!tpu.dma_semaphore, #tpu.memory_space<semaphore_mem>>) src(%dma_wait3A_90 : memref<64x384xf32, #tpu.memory_space<hbm>>) dst(%dma_wait3A_88 : memref<64x384xf32, #tpu.memory_space<vmem>>)
        %ge3A = arith.constant 2 : i32
        %ge3A_91 = arith.cmpi sge, %add3A_54, %ge3A : i32
        %convert_element_type3A_92 = arith.extui %ge3A_91 : i1 to i32
        %cond3A_93 = arith.constant 0 : i32
        %cond3A_94 = arith.cmpi ne, %convert_element_type3A_92, %cond3A_93 : i32
        scf.if %cond3A_94 {
          %sub3A = arith.constant 2 : i32
          %sub3A_121 = arith.subi %add3A_55, %sub3A : i32
          %mul3A_122 = arith.constant 192 : i32
          %mul3A_123 = arith.muli %sub3A_121, %mul3A_122 : i32
          %dma_wait3A_124 = arith.constant 0 : i32
          %dma_wait3A_125 = arith.constant 0 : i32
          %dma_wait3A_126 = arith.constant 0 : i32
          %dma_wait3A_127 = tpu.memref_slice %arg5[%dma_wait3A_124, %dma_wait3A_125, %dma_wait3A_126] : memref<2x192x128xf32, #tpu.memory_space<vmem>> -> memref<1x192x128xf32, #tpu.memory_space<vmem>>
          %dma_wait3A_128 = tpu.memref_squeeze %dma_wait3A_127 : memref<1x192x128xf32, #tpu.memory_space<vmem>> -> memref<192x128xf32, #tpu.memory_space<vmem>>
          %dma_wait3A_129 = arith.constant 0 : i32
          %dma_wait3A_130 = tpu.memref_slice %arg3[%mul3A_123, %dma_wait3A_129] : memref<500000x128xf32, #tpu.memory_space<hbm>> -> memref<192x128xf32, #tpu.memory_space<hbm>>
          %dma_wait3A_131 = arith.constant 0 : i32
          %dma_wait3A_132 = tpu.memref_slice %arg3[%mul3A_123, %dma_wait3A_131] : memref<500000x128xf32, #tpu.memory_space<hbm>> -> memref<192x128xf32, #tpu.memory_space<hbm>>
          %dma_wait3A_133 = arith.constant 0 : i32
          %dma_wait3A_134 = arith.constant 0 : i32
          %dma_wait3A_135 = tpu.memref_slice %arg5[%dma_wait3A_124, %dma_wait3A_133, %dma_wait3A_134] : memref<2x192x128xf32, #tpu.memory_space<vmem>> -> memref<1x192x128xf32, #tpu.memory_space<vmem>>
          %dma_wait3A_136 = tpu.memref_squeeze %dma_wait3A_135 : memref<1x192x128xf32, #tpu.memory_space<vmem>> -> memref<192x128xf32, #tpu.memory_space<vmem>>
          tpu.wait_dma2 semaphore(%arg9 : memref<!tpu.dma_semaphore, #tpu.memory_space<semaphore_mem>>) src(%dma_wait3A_136 : memref<192x128xf32, #tpu.memory_space<vmem>>) dst(%dma_wait3A_132 : memref<192x128xf32, #tpu.memory_space<hbm>>)
        } else {
        }
        %add3A_95 = arith.constant 2 : i32
        %add3A_96 = arith.addi %add3A_54, %add3A_95 : i32
        %lt3A_97 = arith.constant 82 : i32
        %lt3A_98 = arith.cmpi slt, %add3A_96, %lt3A_97 : i32
        %add3A_99 = arith.constant 2 : i32
        %add3A_100 = arith.addi %add3A_55, %add3A_99 : i32
        %lt3A_101 = arith.constant 2604 : i32
        %lt3A_102 = arith.cmpi slt, %add3A_100, %lt3A_101 : i32
        %and3A_103 = arith.andi %lt3A_98, %lt3A_102 : i1
        %convert_element_type3A_104 = arith.extui %and3A_103 : i1 to i32
        %cond3A_105 = arith.constant 0 : i32
        %cond3A_106 = arith.cmpi ne, %convert_element_type3A_104, %cond3A_105 : i32
        scf.if %cond3A_106 {
          %add3A_121 = arith.constant 2 : i32
          %add3A_122 = arith.addi %add3A_55, %add3A_121 : i32
          %mul3A_123 = arith.constant 384 : i32
          %mul3A_124 = arith.muli %add3A_122, %mul3A_123 : i32
          %dma_start3A_125 = arith.constant 0 : i32
          %dma_start3A_126 = arith.constant 0 : i32
          %dma_start3A_127 = arith.constant 0 : i32
          %dma_start3A_128 = tpu.memref_slice %arg4[%dma_start3A_125, %dma_start3A_126, %dma_start3A_127] : memref<2x64x384xf32, #tpu.memory_space<vmem>> -> memref<1x64x384xf32, #tpu.memory_space<vmem>>
          %dma_start3A_129 = tpu.memref_squeeze %dma_start3A_128 : memref<1x64x384xf32, #tpu.memory_space<vmem>> -> memref<64x384xf32, #tpu.memory_space<vmem>>
          %dma_start3A_130 = arith.constant 0 : i32
          %dma_start3A_131 = tpu.memref_slice %arg2[%dma_start3A_130, %mul3A_124] : memref<64x1000000xf32, #tpu.memory_space<hbm>> -> memref<64x384xf32, #tpu.memory_space<hbm>>
          %dma_start3A_132 = arith.constant 0 : i32
          %dma_start3A_133 = arith.constant 0 : i32
          %dma_start3A_134 = tpu.memref_slice %arg4[%dma_start3A_125, %dma_start3A_132, %dma_start3A_133] : memref<2x64x384xf32, #tpu.memory_space<vmem>> -> memref<1x64x384xf32, #tpu.memory_space<vmem>>
          %dma_start3A_135 = tpu.memref_squeeze %dma_start3A_134 : memref<1x64x384xf32, #tpu.memory_space<vmem>> -> memref<64x384xf32, #tpu.memory_space<vmem>>
          %dma_start3A_136 = arith.constant 0 : i32
          %dma_start3A_137 = tpu.memref_slice %arg2[%dma_start3A_136, %mul3A_124] : memref<64x1000000xf32, #tpu.memory_space<hbm>> -> memref<64x384xf32, #tpu.memory_space<hbm>>
          tpu.enqueue_dma source(%dma_start3A_137 : memref<64x384xf32, #tpu.memory_space<hbm>>) target(%dma_start3A_135 : memref<64x384xf32, #tpu.memory_space<vmem>>) target_semaphore(%arg7 : memref<!tpu.dma_semaphore, #tpu.memory_space<semaphore_mem>>)
        } else {
        }
        %mul3A_107 = arith.constant 192 : i32
        %mul3A_108 = arith.muli %add3A_55, %mul3A_107 : i32
        %dma_start3A = arith.constant 0 : i32
        %dma_start3A_109 = arith.constant 0 : i32
        %dma_start3A_110 = arith.constant 0 : i32
        %dma_start3A_111 = tpu.memref_slice %arg5[%dma_start3A, %dma_start3A_109, %dma_start3A_110] : memref<2x192x128xf32, #tpu.memory_space<vmem>> -> memref<1x192x128xf32, #tpu.memory_space<vmem>>
        %dma_start3A_112 = tpu.memref_squeeze %dma_start3A_111 : memref<1x192x128xf32, #tpu.memory_space<vmem>> -> memref<192x128xf32, #tpu.memory_space<vmem>>
        %dma_start3A_113 = arith.constant 0 : i32
        %dma_start3A_114 = tpu.memref_slice %arg3[%mul3A_108, %dma_start3A_113] : memref<500000x128xf32, #tpu.memory_space<hbm>> -> memref<192x128xf32, #tpu.memory_space<hbm>>
        %dma_start3A_115 = arith.constant 0 : i32
        %dma_start3A_116 = tpu.memref_slice %arg3[%mul3A_108, %dma_start3A_115] : memref<500000x128xf32, #tpu.memory_space<hbm>> -> memref<192x128xf32, #tpu.memory_space<hbm>>
        %dma_start3A_117 = arith.constant 0 : i32
        %dma_start3A_118 = arith.constant 0 : i32
        %dma_start3A_119 = tpu.memref_slice %arg5[%dma_start3A, %dma_start3A_117, %dma_start3A_118] : memref<2x192x128xf32, #tpu.memory_space<vmem>> -> memref<1x192x128xf32, #tpu.memory_space<vmem>>
        %dma_start3A_120 = tpu.memref_squeeze %dma_start3A_119 : memref<1x192x128xf32, #tpu.memory_space<vmem>> -> memref<192x128xf32, #tpu.memory_space<vmem>>
        tpu.enqueue_dma source(%dma_start3A_120 : memref<192x128xf32, #tpu.memory_space<vmem>>) target(%dma_start3A_116 : memref<192x128xf32, #tpu.memory_space<hbm>>) target_semaphore(%arg9 : memref<!tpu.dma_semaphore, #tpu.memory_space<semaphore_mem>>)
      } else {
      }
      %mul3A_63 = arith.constant 2 : i32
      %mul3A_64 = arith.muli %mul3A_63, %scan3A_50 : i32
      %add3A_65 = arith.constant 1 : i32
      %add3A_66 = arith.addi %mul3A_64, %add3A_65 : i32
      %add3A_67 = arith.addi %mul3A_2, %add3A_66 : i32
      %lt3A_68 = arith.constant 82 : i32
      %lt3A_69 = arith.cmpi slt, %add3A_66, %lt3A_68 : i32
      %lt3A_70 = arith.constant 2604 : i32
      %lt3A_71 = arith.cmpi slt, %add3A_67, %lt3A_70 : i32
      %and3A_72 = arith.andi %lt3A_69, %lt3A_71 : i1
      %convert_element_type3A_73 = arith.extui %and3A_72 : i1 to i32
      %cond3A_74 = arith.constant 0 : i32
      %cond3A_75 = arith.cmpi ne, %convert_element_type3A_73, %cond3A_74 : i32
      scf.if %cond3A_75 {
        %mul3A_76 = arith.constant 384 : i32
        %mul3A_77 = arith.muli %add3A_67, %mul3A_76 : i32
        %dma_wait3A_78 = arith.constant 1 : i32
        %dma_wait3A_79 = arith.constant 0 : i32
        %dma_wait3A_80 = arith.constant 0 : i32
        %dma_wait3A_81 = tpu.memref_slice %arg4[%dma_wait3A_78, %dma_wait3A_79, %dma_wait3A_80] : memref<2x64x384xf32, #tpu.memory_space<vmem>> -> memref<1x64x384xf32, #tpu.memory_space<vmem>>
        %dma_wait3A_82 = tpu.memref_squeeze %dma_wait3A_81 : memref<1x64x384xf32, #tpu.memory_space<vmem>> -> memref<64x384xf32, #tpu.memory_space<vmem>>
        %dma_wait3A_83 = arith.constant 0 : i32
        %dma_wait3A_84 = tpu.memref_slice %arg2[%dma_wait3A_83, %mul3A_77] : memref<64x1000000xf32, #tpu.memory_space<hbm>> -> memref<64x384xf32, #tpu.memory_space<hbm>>
        %dma_wait3A_85 = arith.constant 0 : i32
        %dma_wait3A_86 = arith.constant 0 : i32
        %dma_wait3A_87 = tpu.memref_slice %arg4[%dma_wait3A_78, %dma_wait3A_85, %dma_wait3A_86] : memref<2x64x384xf32, #tpu.memory_space<vmem>> -> memref<1x64x384xf32, #tpu.memory_space<vmem>>
        %dma_wait3A_88 = tpu.memref_squeeze %dma_wait3A_87 : memref<1x64x384xf32, #tpu.memory_space<vmem>> -> memref<64x384xf32, #tpu.memory_space<vmem>>
        %dma_wait3A_89 = arith.constant 0 : i32
        %dma_wait3A_90 = tpu.memref_slice %arg2[%dma_wait3A_89, %mul3A_77] : memref<64x1000000xf32, #tpu.memory_space<hbm>> -> memref<64x384xf32, #tpu.memory_space<hbm>>
        tpu.wait_dma2 semaphore(%arg8 : memref<!tpu.dma_semaphore, #tpu.memory_space<semaphore_mem>>) src(%dma_wait3A_90 : memref<64x384xf32, #tpu.memory_space<hbm>>) dst(%dma_wait3A_88 : memref<64x384xf32, #tpu.memory_space<vmem>>)
        %ge3A = arith.constant 2 : i32
        %ge3A_91 = arith.cmpi sge, %add3A_66, %ge3A : i32
        %convert_element_type3A_92 = arith.extui %ge3A_91 : i1 to i32
        %cond3A_93 = arith.constant 0 : i32
        %cond3A_94 = arith.cmpi ne, %convert_element_type3A_92, %cond3A_93 : i32
        scf.if %cond3A_94 {
          %sub3A = arith.constant 2 : i32
          %sub3A_121 = arith.subi %add3A_67, %sub3A : i32
          %mul3A_122 = arith.constant 192 : i32
          %mul3A_123 = arith.muli %sub3A_121, %mul3A_122 : i32
          %dma_wait3A_124 = arith.constant 1 : i32
          %dma_wait3A_125 = arith.constant 0 : i32
          %dma_wait3A_126 = arith.constant 0 : i32
          %dma_wait3A_127 = tpu.memref_slice %arg5[%dma_wait3A_124, %dma_wait3A_125, %dma_wait3A_126] : memref<2x192x128xf32, #tpu.memory_space<vmem>> -> memref<1x192x128xf32, #tpu.memory_space<vmem>>
          %dma_wait3A_128 = tpu.memref_squeeze %dma_wait3A_127 : memref<1x192x128xf32, #tpu.memory_space<vmem>> -> memref<192x128xf32, #tpu.memory_space<vmem>>
          %dma_wait3A_129 = arith.constant 0 : i32
          %dma_wait3A_130 = tpu.memref_slice %arg3[%mul3A_123, %dma_wait3A_129] : memref<500000x128xf32, #tpu.memory_space<hbm>> -> memref<192x128xf32, #tpu.memory_space<hbm>>
          %dma_wait3A_131 = arith.constant 0 : i32
          %dma_wait3A_132 = tpu.memref_slice %arg3[%mul3A_123, %dma_wait3A_131] : memref<500000x128xf32, #tpu.memory_space<hbm>> -> memref<192x128xf32, #tpu.memory_space<hbm>>
          %dma_wait3A_133 = arith.constant 0 : i32
          %dma_wait3A_134 = arith.constant 0 : i32
          %dma_wait3A_135 = tpu.memref_slice %arg5[%dma_wait3A_124, %dma_wait3A_133, %dma_wait3A_134] : memref<2x192x128xf32, #tpu.memory_space<vmem>> -> memref<1x192x128xf32, #tpu.memory_space<vmem>>
          %dma_wait3A_136 = tpu.memref_squeeze %dma_wait3A_135 : memref<1x192x128xf32, #tpu.memory_space<vmem>> -> memref<192x128xf32, #tpu.memory_space<vmem>>
          tpu.wait_dma2 semaphore(%arg10 : memref<!tpu.dma_semaphore, #tpu.memory_space<semaphore_mem>>) src(%dma_wait3A_136 : memref<192x128xf32, #tpu.memory_space<vmem>>) dst(%dma_wait3A_132 : memref<192x128xf32, #tpu.memory_space<hbm>>)
        } else {
        }
        %add3A_95 = arith.constant 2 : i32
        %add3A_96 = arith.addi %add3A_66, %add3A_95 : i32
        %lt3A_97 = arith.constant 82 : i32
        %lt3A_98 = arith.cmpi slt, %add3A_96, %lt3A_97 : i32
        %add3A_99 = arith.constant 2 : i32
        %add3A_100 = arith.addi %add3A_67, %add3A_99 : i32
        %lt3A_101 = arith.constant 2604 : i32
        %lt3A_102 = arith.cmpi slt, %add3A_100, %lt3A_101 : i32
        %and3A_103 = arith.andi %lt3A_98, %lt3A_102 : i1
        %convert_element_type3A_104 = arith.extui %and3A_103 : i1 to i32
        %cond3A_105 = arith.constant 0 : i32
        %cond3A_106 = arith.cmpi ne, %convert_element_type3A_104, %cond3A_105 : i32
        scf.if %cond3A_106 {
          %add3A_121 = arith.constant 2 : i32
          %add3A_122 = arith.addi %add3A_67, %add3A_121 : i32
          %mul3A_123 = arith.constant 384 : i32
          %mul3A_124 = arith.muli %add3A_122, %mul3A_123 : i32
          %dma_start3A_125 = arith.constant 1 : i32
          %dma_start3A_126 = arith.constant 0 : i32
          %dma_start3A_127 = arith.constant 0 : i32
          %dma_start3A_128 = tpu.memref_slice %arg4[%dma_start3A_125, %dma_start3A_126, %dma_start3A_127] : memref<2x64x384xf32, #tpu.memory_space<vmem>> -> memref<1x64x384xf32, #tpu.memory_space<vmem>>
          %dma_start3A_129 = tpu.memref_squeeze %dma_start3A_128 : memref<1x64x384xf32, #tpu.memory_space<vmem>> -> memref<64x384xf32, #tpu.memory_space<vmem>>
          %dma_start3A_130 = arith.constant 0 : i32
          %dma_start3A_131 = tpu.memref_slice %arg2[%dma_start3A_130, %mul3A_124] : memref<64x1000000xf32, #tpu.memory_space<hbm>> -> memref<64x384xf32, #tpu.memory_space<hbm>>
          %dma_start3A_132 = arith.constant 0 : i32
          %dma_start3A_133 = arith.constant 0 : i32
          %dma_start3A_134 = tpu.memref_slice %arg4[%dma_start3A_125, %dma_start3A_132, %dma_start3A_133] : memref<2x64x384xf32, #tpu.memory_space<vmem>> -> memref<1x64x384xf32, #tpu.memory_space<vmem>>
          %dma_start3A_135 = tpu.memref_squeeze %dma_start3A_134 : memref<1x64x384xf32, #tpu.memory_space<vmem>> -> memref<64x384xf32, #tpu.memory_space<vmem>>
          %dma_start3A_136 = arith.constant 0 : i32
          %dma_start3A_137 = tpu.memref_slice %arg2[%dma_start3A_136, %mul3A_124] : memref<64x1000000xf32, #tpu.memory_space<hbm>> -> memref<64x384xf32, #tpu.memory_space<hbm>>
          tpu.enqueue_dma source(%dma_start3A_137 : memref<64x384xf32, #tpu.memory_space<hbm>>) target(%dma_start3A_135 : memref<64x384xf32, #tpu.memory_space<vmem>>) target_semaphore(%arg8 : memref<!tpu.dma_semaphore, #tpu.memory_space<semaphore_mem>>)
        } else {
        }
        %mul3A_107 = arith.constant 192 : i32
        %mul3A_108 = arith.muli %add3A_67, %mul3A_107 : i32
        %dma_start3A = arith.constant 1 : i32
        %dma_start3A_109 = arith.constant 0 : i32
        %dma_start3A_110 = arith.constant 0 : i32
        %dma_start3A_111 = tpu.memref_slice %arg5[%dma_start3A, %dma_start3A_109, %dma_start3A_110] : memref<2x192x128xf32, #tpu.memory_space<vmem>> -> memref<1x192x128xf32, #tpu.memory_space<vmem>>
        %dma_start3A_112 = tpu.memref_squeeze %dma_start3A_111 : memref<1x192x128xf32, #tpu.memory_space<vmem>> -> memref<192x128xf32, #tpu.memory_space<vmem>>
        %dma_start3A_113 = arith.constant 0 : i32
        %dma_start3A_114 = tpu.memref_slice %arg3[%mul3A_108, %dma_start3A_113] : memref<500000x128xf32, #tpu.memory_space<hbm>> -> memref<192x128xf32, #tpu.memory_space<hbm>>
        %dma_start3A_115 = arith.constant 0 : i32
        %dma_start3A_116 = tpu.memref_slice %arg3[%mul3A_108, %dma_start3A_115] : memref<500000x128xf32, #tpu.memory_space<hbm>> -> memref<192x128xf32, #tpu.memory_space<hbm>>
        %dma_start3A_117 = arith.constant 0 : i32
        %dma_start3A_118 = arith.constant 0 : i32
        %dma_start3A_119 = tpu.memref_slice %arg5[%dma_start3A, %dma_start3A_117, %dma_start3A_118] : memref<2x192x128xf32, #tpu.memory_space<vmem>> -> memref<1x192x128xf32, #tpu.memory_space<vmem>>
        %dma_start3A_120 = tpu.memref_squeeze %dma_start3A_119 : memref<1x192x128xf32, #tpu.memory_space<vmem>> -> memref<192x128xf32, #tpu.memory_space<vmem>>
        tpu.enqueue_dma source(%dma_start3A_120 : memref<192x128xf32, #tpu.memory_space<vmem>>) target(%dma_start3A_116 : memref<192x128xf32, #tpu.memory_space<hbm>>) target_semaphore(%arg10 : memref<!tpu.dma_semaphore, #tpu.memory_space<semaphore_mem>>)
      } else {
      }
    }
    %scan3A_16 = arith.constant 42 : i32
    %mul3A_17 = arith.constant 192 : i32
    %mul3A_18 = arith.muli %mul3A_2, %mul3A_17 : i32
    %dma_wait3A = arith.constant 0 : i32
    %dma_wait3A_19 = arith.constant 0 : i32
    %dma_wait3A_20 = arith.constant 0 : i32
    %dma_wait3A_21 = tpu.memref_slice %arg5[%dma_wait3A, %dma_wait3A_19, %dma_wait3A_20] : memref<2x192x128xf32, #tpu.memory_space<vmem>> -> memref<1x192x128xf32, #tpu.memory_space<vmem>>
    %dma_wait3A_22 = tpu.memref_squeeze %dma_wait3A_21 : memref<1x192x128xf32, #tpu.memory_space<vmem>> -> memref<192x128xf32, #tpu.memory_space<vmem>>
    %dma_wait3A_23 = arith.constant 0 : i32
    %dma_wait3A_24 = tpu.memref_slice %arg3[%mul3A_18, %dma_wait3A_23] : memref<500000x128xf32, #tpu.memory_space<hbm>> -> memref<192x128xf32, #tpu.memory_space<hbm>>
    %dma_wait3A_25 = arith.constant 0 : i32
    %dma_wait3A_26 = tpu.memref_slice %arg3[%mul3A_18, %dma_wait3A_25] : memref<500000x128xf32, #tpu.memory_space<hbm>> -> memref<192x128xf32, #tpu.memory_space<hbm>>
    %dma_wait3A_27 = arith.constant 0 : i32
    %dma_wait3A_28 = arith.constant 0 : i32
    %dma_wait3A_29 = tpu.memref_slice %arg5[%dma_wait3A, %dma_wait3A_27, %dma_wait3A_28] : memref<2x192x128xf32, #tpu.memory_space<vmem>> -> memref<1x192x128xf32, #tpu.memory_space<vmem>>
    %dma_wait3A_30 = tpu.memref_squeeze %dma_wait3A_29 : memref<1x192x128xf32, #tpu.memory_space<vmem>> -> memref<192x128xf32, #tpu.memory_space<vmem>>
    tpu.wait_dma2 semaphore(%arg9 : memref<!tpu.dma_semaphore, #tpu.memory_space<semaphore_mem>>) src(%dma_wait3A_30 : memref<192x128xf32, #tpu.memory_space<vmem>>) dst(%dma_wait3A_26 : memref<192x128xf32, #tpu.memory_space<hbm>>)
    %mul3A_31 = arith.constant 192 : i32
    %mul3A_32 = arith.muli %mul3A_2, %mul3A_31 : i32
    %dma_wait3A_33 = arith.constant 1 : i32
    %dma_wait3A_34 = arith.constant 0 : i32
    %dma_wait3A_35 = arith.constant 0 : i32
    %dma_wait3A_36 = tpu.memref_slice %arg5[%dma_wait3A_33, %dma_wait3A_34, %dma_wait3A_35] : memref<2x192x128xf32, #tpu.memory_space<vmem>> -> memref<1x192x128xf32, #tpu.memory_space<vmem>>
    %dma_wait3A_37 = tpu.memref_squeeze %dma_wait3A_36 : memref<1x192x128xf32, #tpu.memory_space<vmem>> -> memref<192x128xf32, #tpu.memory_space<vmem>>
    %dma_wait3A_38 = arith.constant 0 : i32
    %dma_wait3A_39 = tpu.memref_slice %arg3[%mul3A_32, %dma_wait3A_38] : memref<500000x128xf32, #tpu.memory_space<hbm>> -> memref<192x128xf32, #tpu.memory_space<hbm>>
    %dma_wait3A_40 = arith.constant 0 : i32
    %dma_wait3A_41 = tpu.memref_slice %arg3[%mul3A_32, %dma_wait3A_40] : memref<500000x128xf32, #tpu.memory_space<hbm>> -> memref<192x128xf32, #tpu.memory_space<hbm>>
    %dma_wait3A_42 = arith.constant 0 : i32
    %dma_wait3A_43 = arith.constant 0 : i32
    %dma_wait3A_44 = tpu.memref_slice %arg5[%dma_wait3A_33, %dma_wait3A_42, %dma_wait3A_43] : memref<2x192x128xf32, #tpu.memory_space<vmem>> -> memref<1x192x128xf32, #tpu.memory_space<vmem>>
    %dma_wait3A_45 = tpu.memref_squeeze %dma_wait3A_44 : memref<1x192x128xf32, #tpu.memory_space<vmem>> -> memref<192x128xf32, #tpu.memory_space<vmem>>
    tpu.wait_dma2 semaphore(%arg10 : memref<!tpu.dma_semaphore, #tpu.memory_space<semaphore_mem>>) src(%dma_wait3A_45 : memref<192x128xf32, #tpu.memory_space<vmem>>) dst(%dma_wait3A_41 : memref<192x128xf32, #tpu.memory_space<hbm>>)
    %eq3A = arith.constant 31 : i32
    %eq3A_46 = arith.cmpi eq, %add3A, %eq3A : i32
    %convert_element_type3A_47 = arith.extui %eq3A_46 : i1 to i32
    %cond3A_48 = arith.constant 0 : i32
    %cond3A_49 = arith.cmpi ne, %convert_element_type3A_47, %cond3A_48 : i32
    scf.if %cond3A_49 {
      "tpu.region"() ({
        %run_scoped3A_50 = tpu.sem_alloc : memref<!tpu.dma_semaphore, #tpu.memory_space<semaphore_mem>>
        %dma_start3A = arith.constant 0 : i32
        %dma_start3A_51 = arith.constant 999936 : i32
        %dma_start3A_52 = tpu.memref_slice %arg2[%dma_start3A, %dma_start3A_51] : memref<64x1000000xf32, #tpu.memory_space<hbm>> -> memref<64x64xf32, #tpu.memory_space<hbm>>
        %dma_start3A_53 = arith.constant 0 : i32
        %dma_start3A_54 = arith.constant 999936 : i32
        %dma_start3A_55 = tpu.memref_slice %arg2[%dma_start3A_53, %dma_start3A_54] : memref<64x1000000xf32, #tpu.memory_space<hbm>> -> memref<64x64xf32, #tpu.memory_space<hbm>>
        tpu.enqueue_dma source(%dma_start3A_55 : memref<64x64xf32, #tpu.memory_space<hbm>>) target(%arg6 : memref<64x64xf32, #tpu.memory_space<vmem>>) target_semaphore(%run_scoped3A_50 : memref<!tpu.dma_semaphore, #tpu.memory_space<semaphore_mem>>)
        %dma_wait3A_56 = arith.constant 0 : i32
        %dma_wait3A_57 = arith.constant 999936 : i32
        %dma_wait3A_58 = tpu.memref_slice %arg2[%dma_wait3A_56, %dma_wait3A_57] : memref<64x1000000xf32, #tpu.memory_space<hbm>> -> memref<64x64xf32, #tpu.memory_space<hbm>>
        %dma_wait3A_59 = arith.constant 0 : i32
        %dma_wait3A_60 = arith.constant 999936 : i32
        %dma_wait3A_61 = tpu.memref_slice %arg2[%dma_wait3A_59, %dma_wait3A_60] : memref<64x1000000xf32, #tpu.memory_space<hbm>> -> memref<64x64xf32, #tpu.memory_space<hbm>>
        tpu.wait_dma2 semaphore(%run_scoped3A_50 : memref<!tpu.dma_semaphore, #tpu.memory_space<semaphore_mem>>) src(%dma_wait3A_61 : memref<64x64xf32, #tpu.memory_space<hbm>>) dst(%arg6 : memref<64x64xf32, #tpu.memory_space<vmem>>)
        tpu.yield
      }) : () -> ()
      %run_scoped3A = arith.constant 0 : i32
      "tpu.region"() ({
        %run_scoped3A_50 = tpu.sem_alloc : memref<!tpu.dma_semaphore, #tpu.memory_space<semaphore_mem>>
        %dma_start3A = arith.constant 0 : i32
        %dma_start3A_51 = arith.constant 0 : i32
        %dma_start3A_52 = tpu.memref_slice %arg5[%run_scoped3A, %dma_start3A, %dma_start3A_51] : memref<2x192x128xf32, #tpu.memory_space<vmem>> -> memref<1x32x128xf32, #tpu.memory_space<vmem>>
        %dma_start3A_53 = tpu.memref_squeeze %dma_start3A_52 : memref<1x32x128xf32, #tpu.memory_space<vmem>> -> memref<32x128xf32, #tpu.memory_space<vmem>>
        %dma_start3A_54 = arith.constant 499968 : i32
        %dma_start3A_55 = arith.constant 0 : i32
        %dma_start3A_56 = tpu.memref_slice %arg3[%dma_start3A_54, %dma_start3A_55] : memref<500000x128xf32, #tpu.memory_space<hbm>> -> memref<32x128xf32, #tpu.memory_space<hbm>>
        %dma_start3A_57 = arith.constant 499968 : i32
        %dma_start3A_58 = arith.constant 0 : i32
        %dma_start3A_59 = tpu.memref_slice %arg3[%dma_start3A_57, %dma_start3A_58] : memref<500000x128xf32, #tpu.memory_space<hbm>> -> memref<32x128xf32, #tpu.memory_space<hbm>>
        %dma_start3A_60 = arith.constant 0 : i32
        %dma_start3A_61 = arith.constant 0 : i32
        %dma_start3A_62 = tpu.memref_slice %arg5[%run_scoped3A, %dma_start3A_60, %dma_start3A_61] : memref<2x192x128xf32, #tpu.memory_space<vmem>> -> memref<1x32x128xf32, #tpu.memory_space<vmem>>
        %dma_start3A_63 = tpu.memref_squeeze %dma_start3A_62 : memref<1x32x128xf32, #tpu.memory_space<vmem>> -> memref<32x128xf32, #tpu.memory_space<vmem>>
        tpu.enqueue_dma source(%dma_start3A_63 : memref<32x128xf32, #tpu.memory_space<vmem>>) target(%dma_start3A_59 : memref<32x128xf32, #tpu.memory_space<hbm>>) target_semaphore(%run_scoped3A_50 : memref<!tpu.dma_semaphore, #tpu.memory_space<semaphore_mem>>)
        %dma_wait3A_64 = arith.constant 0 : i32
        %dma_wait3A_65 = arith.constant 0 : i32
        %dma_wait3A_66 = tpu.memref_slice %arg5[%run_scoped3A, %dma_wait3A_64, %dma_wait3A_65] : memref<2x192x128xf32, #tpu.memory_space<vmem>> -> memref<1x32x128xf32, #tpu.memory_space<vmem>>
        %dma_wait3A_67 = tpu.memref_squeeze %dma_wait3A_66 : memref<1x32x128xf32, #tpu.memory_space<vmem>> -> memref<32x128xf32, #tpu.memory_space<vmem>>
        %dma_wait3A_68 = arith.constant 499968 : i32
        %dma_wait3A_69 = arith.constant 0 : i32
        %dma_wait3A_70 = tpu.memref_slice %arg3[%dma_wait3A_68, %dma_wait3A_69] : memref<500000x128xf32, #tpu.memory_space<hbm>> -> memref<32x128xf32, #tpu.memory_space<hbm>>
        %dma_wait3A_71 = arith.constant 499968 : i32
        %dma_wait3A_72 = arith.constant 0 : i32
        %dma_wait3A_73 = tpu.memref_slice %arg3[%dma_wait3A_71, %dma_wait3A_72] : memref<500000x128xf32, #tpu.memory_space<hbm>> -> memref<32x128xf32, #tpu.memory_space<hbm>>
        %dma_wait3A_74 = arith.constant 0 : i32
        %dma_wait3A_75 = arith.constant 0 : i32
        %dma_wait3A_76 = tpu.memref_slice %arg5[%run_scoped3A, %dma_wait3A_74, %dma_wait3A_75] : memref<2x192x128xf32, #tpu.memory_space<vmem>> -> memref<1x32x128xf32, #tpu.memory_space<vmem>>
        %dma_wait3A_77 = tpu.memref_squeeze %dma_wait3A_76 : memref<1x32x128xf32, #tpu.memory_space<vmem>> -> memref<32x128xf32, #tpu.memory_space<vmem>>
        tpu.wait_dma2 semaphore(%run_scoped3A_50 : memref<!tpu.dma_semaphore, #tpu.memory_space<semaphore_mem>>) src(%dma_wait3A_77 : memref<32x128xf32, #tpu.memory_space<vmem>>) dst(%dma_wait3A_73 : memref<32x128xf32, #tpu.memory_space<hbm>>)
        tpu.yield
      }) : () -> ()
    } else {
    }
    return
  }
}

#map = affine_map<(d0, d1) -> (0, 0, 0)>
#map1 = affine_map<(d0, d1) -> (0, 0)>
module attributes {stable_mosaic.version = 14 : i64} {
  func.func @_gather(%arg0: i32, %arg1: i32, %arg2: memref<32x50x128xi32, #tpu.memory_space<hbm>>, %arg3: memref<500000x128xf32, #tpu.memory_space<hbm>>, %arg4: memref<200x64x1024xf32, #tpu.memory_space<hbm>>, %arg5: memref<50x128xi32, #tpu.memory_space<vmem>>, %arg6: memref<50x128xi32, #tpu.memory_space<vmem>>, %arg7: memref<3x128x128xf32, #tpu.memory_space<vmem>>, %arg8: memref<3x64x128xf32, #tpu.memory_space<vmem>>, %arg9: memref<!tpu.dma_semaphore, #tpu.memory_space<semaphore_mem>>, %arg10: memref<!tpu.dma_semaphore, #tpu.memory_space<semaphore_mem>>, %arg11: memref<!tpu.dma_semaphore, #tpu.memory_space<semaphore_mem>>, %arg12: memref<!tpu.dma_semaphore, #tpu.memory_space<semaphore_mem>>, %arg13: memref<!tpu.dma_semaphore, #tpu.memory_space<semaphore_mem>>, %arg14: memref<!tpu.dma_semaphore, #tpu.memory_space<semaphore_mem>>) attributes {dimension_semantics = [#tpu.dimension_semantics<core_parallel>, #tpu.dimension_semantics<subcore_parallel>], iteration_bounds = array<i64: 2, 16>, scalar_prefetch = 0 : i64, scratch_operands = 10 : i64, tpu.core_type = #tpu.core_type<sc_vector_subcore>, window_params = [{transform_indices = #map}, {transform_indices = #map1}, {transform_indices = #map}]} {
    %mul3A = arith.constant 2 : i32
    %mul3A_0 = arith.muli %arg1, %mul3A : i32
    %add3A = arith.addi %mul3A_0, %arg0 : i32
    %mul3A_1 = arith.constant 50 : i32
    %mul3A_2 = arith.muli %add3A, %mul3A_1 : i32
    %iota3A = tpu.iota {dimensions = array<i32: 0>} : vector<16xi32>
    "tpu.region"() ({
      %run_scoped3A = tpu.sem_alloc : memref<!tpu.dma_semaphore, #tpu.memory_space<semaphore_mem>>
      %dma_start3A_103 = arith.constant 0 : i32
      %dma_start3A_104 = arith.constant 0 : i32
      %dma_start3A_105 = tpu.memref_slice %arg2[%add3A, %dma_start3A_103, %dma_start3A_104] : memref<32x50x128xi32, #tpu.memory_space<hbm>> -> memref<1x50x128xi32, #tpu.memory_space<hbm>>
      %dma_start3A_106 = tpu.memref_squeeze %dma_start3A_105 : memref<1x50x128xi32, #tpu.memory_space<hbm>> -> memref<50x128xi32, #tpu.memory_space<hbm>>
      %dma_start3A_107 = arith.constant 0 : i32
      %dma_start3A_108 = arith.constant 0 : i32
      %dma_start3A_109 = tpu.memref_slice %arg2[%add3A, %dma_start3A_107, %dma_start3A_108] : memref<32x50x128xi32, #tpu.memory_space<hbm>> -> memref<1x50x128xi32, #tpu.memory_space<hbm>>
      %dma_start3A_110 = tpu.memref_squeeze %dma_start3A_109 : memref<1x50x128xi32, #tpu.memory_space<hbm>> -> memref<50x128xi32, #tpu.memory_space<hbm>>
      tpu.enqueue_dma source(%dma_start3A_110 : memref<50x128xi32, #tpu.memory_space<hbm>>) target(%arg5 : memref<50x128xi32, #tpu.memory_space<vmem>>) target_semaphore(%run_scoped3A : memref<!tpu.dma_semaphore, #tpu.memory_space<semaphore_mem>>)
      %dma_wait3A_111 = arith.constant 0 : i32
      %dma_wait3A_112 = arith.constant 0 : i32
      %dma_wait3A_113 = tpu.memref_slice %arg2[%add3A, %dma_wait3A_111, %dma_wait3A_112] : memref<32x50x128xi32, #tpu.memory_space<hbm>> -> memref<1x50x128xi32, #tpu.memory_space<hbm>>
      %dma_wait3A_114 = tpu.memref_squeeze %dma_wait3A_113 : memref<1x50x128xi32, #tpu.memory_space<hbm>> -> memref<50x128xi32, #tpu.memory_space<hbm>>
      %dma_wait3A_115 = arith.constant 0 : i32
      %dma_wait3A_116 = arith.constant 0 : i32
      %dma_wait3A_117 = tpu.memref_slice %arg2[%add3A, %dma_wait3A_115, %dma_wait3A_116] : memref<32x50x128xi32, #tpu.memory_space<hbm>> -> memref<1x50x128xi32, #tpu.memory_space<hbm>>
      %dma_wait3A_118 = tpu.memref_squeeze %dma_wait3A_117 : memref<1x50x128xi32, #tpu.memory_space<hbm>> -> memref<50x128xi32, #tpu.memory_space<hbm>>
      tpu.wait_dma2 semaphore(%run_scoped3A : memref<!tpu.dma_semaphore, #tpu.memory_space<semaphore_mem>>) src(%dma_wait3A_118 : memref<50x128xi32, #tpu.memory_space<hbm>>) dst(%arg5 : memref<50x128xi32, #tpu.memory_space<vmem>>)
      tpu.yield
    }) : () -> ()
    %scan3A = arith.constant 0 : i32
    %scan3A_3 = arith.constant 0 : i32
    %scan3A_4 = arith.constant 50 : i32
    %scan3A_5 = arith.addi %scan3A_3, %scan3A_4 : i32
    %scan3A_6 = arith.constant 1 : i32
    scf.for %scan3A_103 = %scan3A_3 to %scan3A_5 step %scan3A_6  : i32 {
      %get3A = arith.index_cast %scan3A_103 : i32 to index
      %get3A_104 = arith.constant 0 : index
      %get3A_105 = tpu.vector_load %arg5[%get3A, %get3A_104] {strides = array<i32>} : memref<50x128xi32, #tpu.memory_space<vmem>>, vector<16xi32>,
      %shift_right_logical3A = arith.constant 1 : i32
      %shift_right_logical3A_106 = vector.broadcast %shift_right_logical3A : i32 to vector<16xi32>
      %shift_right_logical3A_107 = arith.shrui %get3A_105, %shift_right_logical3A_106 : vector<16xi32>
      %swap3A = arith.index_cast %scan3A_103 : i32 to index
      %swap3A_108 = arith.constant 0 : index
      %swap3A_109 = tpu.vector_load %arg6[%swap3A, %swap3A_108] {strides = array<i32>} : memref<50x128xi32, #tpu.memory_space<vmem>>, vector<16xi32>,
      tpu.vector_store %arg6[%swap3A, %swap3A_108], %shift_right_logical3A_107 {strides = array<i32>} : memref<50x128xi32, #tpu.memory_space<vmem>>, vector<16xi32>,
      %get3A_110 = arith.index_cast %scan3A_103 : i32 to index
      %get3A_111 = arith.constant 16 : index
      %get3A_112 = tpu.vector_load %arg5[%get3A_110, %get3A_111] {strides = array<i32>} : memref<50x128xi32, #tpu.memory_space<vmem>>, vector<16xi32>,
      %shift_right_logical3A_113 = arith.constant 1 : i32
      %shift_right_logical3A_114 = vector.broadcast %shift_right_logical3A_113 : i32 to vector<16xi32>
      %shift_right_logical3A_115 = arith.shrui %get3A_112, %shift_right_logical3A_114 : vector<16xi32>
      %swap3A_116 = arith.index_cast %scan3A_103 : i32 to index
      %swap3A_117 = arith.constant 16 : index
      %swap3A_118 = tpu.vector_load %arg6[%swap3A_116, %swap3A_117] {strides = array<i32>} : memref<50x128xi32, #tpu.memory_space<vmem>>, vector<16xi32>,
      tpu.vector_store %arg6[%swap3A_116, %swap3A_117], %shift_right_logical3A_115 {strides = array<i32>} : memref<50x128xi32, #tpu.memory_space<vmem>>, vector<16xi32>,
      %get3A_119 = arith.index_cast %scan3A_103 : i32 to index
      %get3A_120 = arith.constant 32 : index
      %get3A_121 = tpu.vector_load %arg5[%get3A_119, %get3A_120] {strides = array<i32>} : memref<50x128xi32, #tpu.memory_space<vmem>>, vector<16xi32>,
      %shift_right_logical3A_122 = arith.constant 1 : i32
      %shift_right_logical3A_123 = vector.broadcast %shift_right_logical3A_122 : i32 to vector<16xi32>
      %shift_right_logical3A_124 = arith.shrui %get3A_121, %shift_right_logical3A_123 : vector<16xi32>
      %swap3A_125 = arith.index_cast %scan3A_103 : i32 to index
      %swap3A_126 = arith.constant 32 : index
      %swap3A_127 = tpu.vector_load %arg6[%swap3A_125, %swap3A_126] {strides = array<i32>} : memref<50x128xi32, #tpu.memory_space<vmem>>, vector<16xi32>,
      tpu.vector_store %arg6[%swap3A_125, %swap3A_126], %shift_right_logical3A_124 {strides = array<i32>} : memref<50x128xi32, #tpu.memory_space<vmem>>, vector<16xi32>,
      %get3A_128 = arith.index_cast %scan3A_103 : i32 to index
      %get3A_129 = arith.constant 48 : index
      %get3A_130 = tpu.vector_load %arg5[%get3A_128, %get3A_129] {strides = array<i32>} : memref<50x128xi32, #tpu.memory_space<vmem>>, vector<16xi32>,
      %shift_right_logical3A_131 = arith.constant 1 : i32
      %shift_right_logical3A_132 = vector.broadcast %shift_right_logical3A_131 : i32 to vector<16xi32>
      %shift_right_logical3A_133 = arith.shrui %get3A_130, %shift_right_logical3A_132 : vector<16xi32>
      %swap3A_134 = arith.index_cast %scan3A_103 : i32 to index
      %swap3A_135 = arith.constant 48 : index
      %swap3A_136 = tpu.vector_load %arg6[%swap3A_134, %swap3A_135] {strides = array<i32>} : memref<50x128xi32, #tpu.memory_space<vmem>>, vector<16xi32>,
      tpu.vector_store %arg6[%swap3A_134, %swap3A_135], %shift_right_logical3A_133 {strides = array<i32>} : memref<50x128xi32, #tpu.memory_space<vmem>>, vector<16xi32>,
      %get3A_137 = arith.index_cast %scan3A_103 : i32 to index
      %get3A_138 = arith.constant 64 : index
      %get3A_139 = tpu.vector_load %arg5[%get3A_137, %get3A_138] {strides = array<i32>} : memref<50x128xi32, #tpu.memory_space<vmem>>, vector<16xi32>,
      %shift_right_logical3A_140 = arith.constant 1 : i32
      %shift_right_logical3A_141 = vector.broadcast %shift_right_logical3A_140 : i32 to vector<16xi32>
      %shift_right_logical3A_142 = arith.shrui %get3A_139, %shift_right_logical3A_141 : vector<16xi32>
      %swap3A_143 = arith.index_cast %scan3A_103 : i32 to index
      %swap3A_144 = arith.constant 64 : index
      %swap3A_145 = tpu.vector_load %arg6[%swap3A_143, %swap3A_144] {strides = array<i32>} : memref<50x128xi32, #tpu.memory_space<vmem>>, vector<16xi32>,
      tpu.vector_store %arg6[%swap3A_143, %swap3A_144], %shift_right_logical3A_142 {strides = array<i32>} : memref<50x128xi32, #tpu.memory_space<vmem>>, vector<16xi32>,
      %get3A_146 = arith.index_cast %scan3A_103 : i32 to index
      %get3A_147 = arith.constant 80 : index
      %get3A_148 = tpu.vector_load %arg5[%get3A_146, %get3A_147] {strides = array<i32>} : memref<50x128xi32, #tpu.memory_space<vmem>>, vector<16xi32>,
      %shift_right_logical3A_149 = arith.constant 1 : i32
      %shift_right_logical3A_150 = vector.broadcast %shift_right_logical3A_149 : i32 to vector<16xi32>
      %shift_right_logical3A_151 = arith.shrui %get3A_148, %shift_right_logical3A_150 : vector<16xi32>
      %swap3A_152 = arith.index_cast %scan3A_103 : i32 to index
      %swap3A_153 = arith.constant 80 : index
      %swap3A_154 = tpu.vector_load %arg6[%swap3A_152, %swap3A_153] {strides = array<i32>} : memref<50x128xi32, #tpu.memory_space<vmem>>, vector<16xi32>,
      tpu.vector_store %arg6[%swap3A_152, %swap3A_153], %shift_right_logical3A_151 {strides = array<i32>} : memref<50x128xi32, #tpu.memory_space<vmem>>, vector<16xi32>,
      %get3A_155 = arith.index_cast %scan3A_103 : i32 to index
      %get3A_156 = arith.constant 96 : index
      %get3A_157 = tpu.vector_load %arg5[%get3A_155, %get3A_156] {strides = array<i32>} : memref<50x128xi32, #tpu.memory_space<vmem>>, vector<16xi32>,
      %shift_right_logical3A_158 = arith.constant 1 : i32
      %shift_right_logical3A_159 = vector.broadcast %shift_right_logical3A_158 : i32 to vector<16xi32>
      %shift_right_logical3A_160 = arith.shrui %get3A_157, %shift_right_logical3A_159 : vector<16xi32>
      %swap3A_161 = arith.index_cast %scan3A_103 : i32 to index
      %swap3A_162 = arith.constant 96 : index
      %swap3A_163 = tpu.vector_load %arg6[%swap3A_161, %swap3A_162] {strides = array<i32>} : memref<50x128xi32, #tpu.memory_space<vmem>>, vector<16xi32>,
      tpu.vector_store %arg6[%swap3A_161, %swap3A_162], %shift_right_logical3A_160 {strides = array<i32>} : memref<50x128xi32, #tpu.memory_space<vmem>>, vector<16xi32>,
      %get3A_164 = arith.index_cast %scan3A_103 : i32 to index
      %get3A_165 = arith.constant 112 : index
      %get3A_166 = tpu.vector_load %arg5[%get3A_164, %get3A_165] {strides = array<i32>} : memref<50x128xi32, #tpu.memory_space<vmem>>, vector<16xi32>,
      %shift_right_logical3A_167 = arith.constant 1 : i32
      %shift_right_logical3A_168 = vector.broadcast %shift_right_logical3A_167 : i32 to vector<16xi32>
      %shift_right_logical3A_169 = arith.shrui %get3A_166, %shift_right_logical3A_168 : vector<16xi32>
      %swap3A_170 = arith.index_cast %scan3A_103 : i32 to index
      %swap3A_171 = arith.constant 112 : index
      %swap3A_172 = tpu.vector_load %arg6[%swap3A_170, %swap3A_171] {strides = array<i32>} : memref<50x128xi32, #tpu.memory_space<vmem>>, vector<16xi32>,
      tpu.vector_store %arg6[%swap3A_170, %swap3A_171], %shift_right_logical3A_169 {strides = array<i32>} : memref<50x128xi32, #tpu.memory_space<vmem>>, vector<16xi32>,
    }
    %scan3A_7 = arith.constant 50 : i32
    %dma_start3A = arith.constant 0 : i32
    %dma_start3A_8 = arith.constant 0 : i32
    %dma_start3A_9 = arith.constant 0 : i32
    %dma_start3A_10 = arith.constant 0 : i32
    %dma_start3A_11 = tpu.memref_slice %arg7[%dma_start3A_8, %dma_start3A_9, %dma_start3A_10] : memref<3x128x128xf32, #tpu.memory_space<vmem>> -> memref<1x128x128xf32, #tpu.memory_space<vmem>>
    %dma_start3A_12 = tpu.memref_squeeze %dma_start3A_11 : memref<1x128x128xf32, #tpu.memory_space<vmem>> -> memref<128x128xf32, #tpu.memory_space<vmem>>
    %dma_start3A_13 = arith.constant 0 : i32
    %dma_start3A_14 = tpu.memref_slice %arg6[%dma_start3A, %dma_start3A_13] : memref<50x128xi32, #tpu.memory_space<vmem>> -> memref<1x128xi32, #tpu.memory_space<vmem>>
    %dma_start3A_15 = tpu.memref_squeeze %dma_start3A_14 : memref<1x128xi32, #tpu.memory_space<vmem>> -> memref<128xi32, #tpu.memory_space<vmem>>
    %dma_start3A_16 = arith.constant 0 : i32
    %dma_start3A_17 = arith.constant 0 : i32
    %dma_start3A_18 = tpu.memref_slice %arg3[%dma_start3A_16, %dma_start3A_17] : memref<500000x128xf32, #tpu.memory_space<hbm>> -> memref<500000x128xf32, #tpu.memory_space<hbm>>
    tpu.enqueue_indirect_dma source(%dma_start3A_18 : memref<500000x128xf32, #tpu.memory_space<hbm>>) target(%dma_start3A_12 : memref<128x128xf32, #tpu.memory_space<vmem>>) offsets(%dma_start3A_15 : memref<128xi32, #tpu.memory_space<vmem>>) semaphore(%arg9 : memref<!tpu.dma_semaphore, #tpu.memory_space<semaphore_mem>>)
    %dma_start3A_19 = arith.constant 1 : i32
    %dma_start3A_20 = arith.constant 1 : i32
    %dma_start3A_21 = arith.constant 0 : i32
    %dma_start3A_22 = arith.constant 0 : i32
    %dma_start3A_23 = tpu.memref_slice %arg7[%dma_start3A_20, %dma_start3A_21, %dma_start3A_22] : memref<3x128x128xf32, #tpu.memory_space<vmem>> -> memref<1x128x128xf32, #tpu.memory_space<vmem>>
    %dma_start3A_24 = tpu.memref_squeeze %dma_start3A_23 : memref<1x128x128xf32, #tpu.memory_space<vmem>> -> memref<128x128xf32, #tpu.memory_space<vmem>>
    %dma_start3A_25 = arith.constant 0 : i32
    %dma_start3A_26 = tpu.memref_slice %arg6[%dma_start3A_19, %dma_start3A_25] : memref<50x128xi32, #tpu.memory_space<vmem>> -> memref<1x128xi32, #tpu.memory_space<vmem>>
    %dma_start3A_27 = tpu.memref_squeeze %dma_start3A_26 : memref<1x128xi32, #tpu.memory_space<vmem>> -> memref<128xi32, #tpu.memory_space<vmem>>
    %dma_start3A_28 = arith.constant 0 : i32
    %dma_start3A_29 = arith.constant 0 : i32
    %dma_start3A_30 = tpu.memref_slice %arg3[%dma_start3A_28, %dma_start3A_29] : memref<500000x128xf32, #tpu.memory_space<hbm>> -> memref<500000x128xf32, #tpu.memory_space<hbm>>
    tpu.enqueue_indirect_dma source(%dma_start3A_30 : memref<500000x128xf32, #tpu.memory_space<hbm>>) target(%dma_start3A_24 : memref<128x128xf32, #tpu.memory_space<vmem>>) offsets(%dma_start3A_27 : memref<128xi32, #tpu.memory_space<vmem>>) semaphore(%arg10 : memref<!tpu.dma_semaphore, #tpu.memory_space<semaphore_mem>>)
    %scan3A_31 = arith.constant 0 : i32
    %scan3A_32 = arith.constant 0 : i32
    %scan3A_33 = arith.constant 17 : i32
    %scan3A_34 = arith.addi %scan3A_32, %scan3A_33 : i32
    %scan3A_35 = arith.constant 1 : i32
    scf.for %scan3A_103 = %scan3A_32 to %scan3A_34 step %scan3A_35  : i32 {
      %mul3A_104 = arith.constant 3 : i32
      %mul3A_105 = arith.muli %mul3A_104, %scan3A_103 : i32
      %add3A_106 = arith.constant 0 : i32
      %add3A_107 = arith.addi %mul3A_105, %add3A_106 : i32
      %lt3A = arith.constant 50 : i32
      %lt3A_108 = arith.cmpi slt, %add3A_107, %lt3A : i32
      %convert_element_type3A = arith.extui %lt3A_108 : i1 to i32
      %cond3A = arith.constant 0 : i32
      %cond3A_109 = arith.cmpi ne, %convert_element_type3A, %cond3A : i32
      scf.if %cond3A_109 {
        %dma_wait3A_128 = arith.constant 0 : i32
        %dma_wait3A_129 = arith.constant 0 : i32
        %dma_wait3A_130 = arith.constant 0 : i32
        %dma_wait3A_131 = tpu.memref_slice %arg7[%dma_wait3A_128, %dma_wait3A_129, %dma_wait3A_130] : memref<3x128x128xf32, #tpu.memory_space<vmem>> -> memref<1x128x128xf32, #tpu.memory_space<vmem>>
        %dma_wait3A_132 = tpu.memref_squeeze %dma_wait3A_131 : memref<1x128x128xf32, #tpu.memory_space<vmem>> -> memref<128x128xf32, #tpu.memory_space<vmem>>
        %dma_wait3A_133 = arith.constant 0 : i32
        %dma_wait3A_134 = tpu.memref_slice %arg6[%add3A_107, %dma_wait3A_133] : memref<50x128xi32, #tpu.memory_space<vmem>> -> memref<1x128xi32, #tpu.memory_space<vmem>>
        %dma_wait3A_135 = tpu.memref_squeeze %dma_wait3A_134 : memref<1x128xi32, #tpu.memory_space<vmem>> -> memref<128xi32, #tpu.memory_space<vmem>>
        %dma_wait3A_136 = arith.constant 0 : i32
        %dma_wait3A_137 = arith.constant 0 : i32
        %dma_wait3A_138 = tpu.memref_slice %arg3[%dma_wait3A_136, %dma_wait3A_137] : memref<500000x128xf32, #tpu.memory_space<hbm>> -> memref<500000x128xf32, #tpu.memory_space<hbm>>
        tpu.wait_indirect_dma semaphore(%arg9 : memref<!tpu.dma_semaphore, #tpu.memory_space<semaphore_mem>>) src(%dma_wait3A_138 : memref<500000x128xf32, #tpu.memory_space<hbm>>) dst(%dma_wait3A_132 : memref<128x128xf32, #tpu.memory_space<vmem>>)
        %ge3A = arith.constant 3 : i32
        %ge3A_139 = arith.cmpi sge, %add3A_107, %ge3A : i32
        %convert_element_type3A_140 = arith.extui %ge3A_139 : i1 to i32
        %cond3A_141 = arith.constant 0 : i32
        %cond3A_142 = arith.cmpi ne, %convert_element_type3A_140, %cond3A_141 : i32
        scf.if %cond3A_142 {
          %sub3A = arith.constant 3 : i32
          %sub3A_266 = arith.subi %add3A_107, %sub3A : i32
          %add3A_267 = arith.addi %mul3A_2, %sub3A_266 : i32
          %div3A_268 = arith.constant 8 : i32
          %div3A_269 = arith.divsi %add3A_267, %div3A_268 : i32
          %rem3A_270 = arith.constant 8 : i32
          %rem3A_271 = arith.remsi %add3A_267, %rem3A_270 : i32
          %mul3A_272 = arith.constant 128 : i32
          %mul3A_273 = arith.muli %rem3A_271, %mul3A_272 : i32
          %dma_wait3A_274 = arith.constant 0 : i32
          %dma_wait3A_275 = arith.constant 0 : i32
          %dma_wait3A_276 = arith.constant 0 : i32
          %dma_wait3A_277 = tpu.memref_slice %arg8[%dma_wait3A_274, %dma_wait3A_275, %dma_wait3A_276] : memref<3x64x128xf32, #tpu.memory_space<vmem>> -> memref<1x64x128xf32, #tpu.memory_space<vmem>>
          %dma_wait3A_278 = tpu.memref_squeeze %dma_wait3A_277 : memref<1x64x128xf32, #tpu.memory_space<vmem>> -> memref<64x128xf32, #tpu.memory_space<vmem>>
          %dma_wait3A_279 = arith.constant 0 : i32
          %dma_wait3A_280 = tpu.memref_slice %arg4[%div3A_269, %dma_wait3A_279, %mul3A_273] : memref<200x64x1024xf32, #tpu.memory_space<hbm>> -> memref<1x64x128xf32, #tpu.memory_space<hbm>>
          %dma_wait3A_281 = tpu.memref_squeeze %dma_wait3A_280 : memref<1x64x128xf32, #tpu.memory_space<hbm>> -> memref<64x128xf32, #tpu.memory_space<hbm>>
          %dma_wait3A_282 = arith.constant 0 : i32
          %dma_wait3A_283 = tpu.memref_slice %arg4[%div3A_269, %dma_wait3A_282, %mul3A_273] : memref<200x64x1024xf32, #tpu.memory_space<hbm>> -> memref<1x64x128xf32, #tpu.memory_space<hbm>>
          %dma_wait3A_284 = tpu.memref_squeeze %dma_wait3A_283 : memref<1x64x128xf32, #tpu.memory_space<hbm>> -> memref<64x128xf32, #tpu.memory_space<hbm>>
          %dma_wait3A_285 = arith.constant 0 : i32
          %dma_wait3A_286 = arith.constant 0 : i32
          %dma_wait3A_287 = tpu.memref_slice %arg8[%dma_wait3A_274, %dma_wait3A_285, %dma_wait3A_286] : memref<3x64x128xf32, #tpu.memory_space<vmem>> -> memref<1x64x128xf32, #tpu.memory_space<vmem>>
          %dma_wait3A_288 = tpu.memref_squeeze %dma_wait3A_287 : memref<1x64x128xf32, #tpu.memory_space<vmem>> -> memref<64x128xf32, #tpu.memory_space<vmem>>
          tpu.wait_dma2 semaphore(%arg12 : memref<!tpu.dma_semaphore, #tpu.memory_space<semaphore_mem>>) src(%dma_wait3A_288 : memref<64x128xf32, #tpu.memory_space<vmem>>) dst(%dma_wait3A_284 : memref<64x128xf32, #tpu.memory_space<hbm>>)
        } else {
        }
        %add3A_143 = arith.constant 0 : i32
        %add3A_144 = vector.broadcast %add3A_143 : i32 to vector<16xi32>
        %add3A_145 = arith.addi %add3A_144, %iota3A : vector<16xi32>
        %add3A_146 = arith.constant 16 : i32
        %add3A_147 = vector.broadcast %add3A_146 : i32 to vector<16xi32>
        %add3A_148 = arith.addi %add3A_147, %iota3A : vector<16xi32>
        %add3A_149 = arith.constant 32 : i32
        %add3A_150 = vector.broadcast %add3A_149 : i32 to vector<16xi32>
        %add3A_151 = arith.addi %add3A_150, %iota3A : vector<16xi32>
        %add3A_152 = arith.constant 48 : i32
        %add3A_153 = vector.broadcast %add3A_152 : i32 to vector<16xi32>
        %add3A_154 = arith.addi %add3A_153, %iota3A : vector<16xi32>
        %add3A_155 = arith.constant 64 : i32
        %add3A_156 = vector.broadcast %add3A_155 : i32 to vector<16xi32>
        %add3A_157 = arith.addi %add3A_156, %iota3A : vector<16xi32>
        %add3A_158 = arith.constant 80 : i32
        %add3A_159 = vector.broadcast %add3A_158 : i32 to vector<16xi32>
        %add3A_160 = arith.addi %add3A_159, %iota3A : vector<16xi32>
        %add3A_161 = arith.constant 96 : i32
        %add3A_162 = vector.broadcast %add3A_161 : i32 to vector<16xi32>
        %add3A_163 = arith.addi %add3A_162, %iota3A : vector<16xi32>
        %add3A_164 = arith.constant 112 : i32
        %add3A_165 = vector.broadcast %add3A_164 : i32 to vector<16xi32>
        %add3A_166 = arith.addi %add3A_165, %iota3A : vector<16xi32>
        %get3A = arith.index_cast %add3A_107 : i32 to index
        %get3A_167 = arith.constant 0 : index
        %get3A_168 = tpu.vector_load %arg5[%get3A, %get3A_167] {strides = array<i32>} : memref<50x128xi32, #tpu.memory_space<vmem>>, vector<16xi32>,
        %and3A = arith.constant 1 : i32
        %and3A_169 = vector.broadcast %and3A : i32 to vector<16xi32>
        %and3A_170 = arith.andi %get3A_168, %and3A_169 : vector<16xi32>
        %mul3A_171 = arith.constant 64 : i32
        %mul3A_172 = vector.broadcast %mul3A_171 : i32 to vector<16xi32>
        %mul3A_173 = arith.muli %and3A_170, %mul3A_172 : vector<16xi32>
        %get3A_174 = arith.index_cast %add3A_107 : i32 to index
        %get3A_175 = arith.constant 16 : index
        %get3A_176 = tpu.vector_load %arg5[%get3A_174, %get3A_175] {strides = array<i32>} : memref<50x128xi32, #tpu.memory_space<vmem>>, vector<16xi32>,
        %and3A_177 = arith.constant 1 : i32
        %and3A_178 = vector.broadcast %and3A_177 : i32 to vector<16xi32>
        %and3A_179 = arith.andi %get3A_176, %and3A_178 : vector<16xi32>
        %mul3A_180 = arith.constant 64 : i32
        %mul3A_181 = vector.broadcast %mul3A_180 : i32 to vector<16xi32>
        %mul3A_182 = arith.muli %and3A_179, %mul3A_181 : vector<16xi32>
        %get3A_183 = arith.index_cast %add3A_107 : i32 to index
        %get3A_184 = arith.constant 32 : index
        %get3A_185 = tpu.vector_load %arg5[%get3A_183, %get3A_184] {strides = array<i32>} : memref<50x128xi32, #tpu.memory_space<vmem>>, vector<16xi32>,
        %and3A_186 = arith.constant 1 : i32
        %and3A_187 = vector.broadcast %and3A_186 : i32 to vector<16xi32>
        %and3A_188 = arith.andi %get3A_185, %and3A_187 : vector<16xi32>
        %mul3A_189 = arith.constant 64 : i32
        %mul3A_190 = vector.broadcast %mul3A_189 : i32 to vector<16xi32>
        %mul3A_191 = arith.muli %and3A_188, %mul3A_190 : vector<16xi32>
        %get3A_192 = arith.index_cast %add3A_107 : i32 to index
        %get3A_193 = arith.constant 48 : index
        %get3A_194 = tpu.vector_load %arg5[%get3A_192, %get3A_193] {strides = array<i32>} : memref<50x128xi32, #tpu.memory_space<vmem>>, vector<16xi32>,
        %and3A_195 = arith.constant 1 : i32
        %and3A_196 = vector.broadcast %and3A_195 : i32 to vector<16xi32>
        %and3A_197 = arith.andi %get3A_194, %and3A_196 : vector<16xi32>
        %mul3A_198 = arith.constant 64 : i32
        %mul3A_199 = vector.broadcast %mul3A_198 : i32 to vector<16xi32>
        %mul3A_200 = arith.muli %and3A_197, %mul3A_199 : vector<16xi32>
        %get3A_201 = arith.index_cast %add3A_107 : i32 to index
        %get3A_202 = arith.constant 64 : index
        %get3A_203 = tpu.vector_load %arg5[%get3A_201, %get3A_202] {strides = array<i32>} : memref<50x128xi32, #tpu.memory_space<vmem>>, vector<16xi32>,
        %and3A_204 = arith.constant 1 : i32
        %and3A_205 = vector.broadcast %and3A_204 : i32 to vector<16xi32>
        %and3A_206 = arith.andi %get3A_203, %and3A_205 : vector<16xi32>
        %mul3A_207 = arith.constant 64 : i32
        %mul3A_208 = vector.broadcast %mul3A_207 : i32 to vector<16xi32>
        %mul3A_209 = arith.muli %and3A_206, %mul3A_208 : vector<16xi32>
        %get3A_210 = arith.index_cast %add3A_107 : i32 to index
        %get3A_211 = arith.constant 80 : index
        %get3A_212 = tpu.vector_load %arg5[%get3A_210, %get3A_211] {strides = array<i32>} : memref<50x128xi32, #tpu.memory_space<vmem>>, vector<16xi32>,
        %and3A_213 = arith.constant 1 : i32
        %and3A_214 = vector.broadcast %and3A_213 : i32 to vector<16xi32>
        %and3A_215 = arith.andi %get3A_212, %and3A_214 : vector<16xi32>
        %mul3A_216 = arith.constant 64 : i32
        %mul3A_217 = vector.broadcast %mul3A_216 : i32 to vector<16xi32>
        %mul3A_218 = arith.muli %and3A_215, %mul3A_217 : vector<16xi32>
        %get3A_219 = arith.index_cast %add3A_107 : i32 to index
        %get3A_220 = arith.constant 96 : index
        %get3A_221 = tpu.vector_load %arg5[%get3A_219, %get3A_220] {strides = array<i32>} : memref<50x128xi32, #tpu.memory_space<vmem>>, vector<16xi32>,
        %and3A_222 = arith.constant 1 : i32
        %and3A_223 = vector.broadcast %and3A_222 : i32 to vector<16xi32>
        %and3A_224 = arith.andi %get3A_221, %and3A_223 : vector<16xi32>
        %mul3A_225 = arith.constant 64 : i32
        %mul3A_226 = vector.broadcast %mul3A_225 : i32 to vector<16xi32>
        %mul3A_227 = arith.muli %and3A_224, %mul3A_226 : vector<16xi32>
        %get3A_228 = arith.index_cast %add3A_107 : i32 to index
        %get3A_229 = arith.constant 112 : index
        %get3A_230 = tpu.vector_load %arg5[%get3A_228, %get3A_229] {strides = array<i32>} : memref<50x128xi32, #tpu.memory_space<vmem>>, vector<16xi32>,
        %and3A_231 = arith.constant 1 : i32
        %and3A_232 = vector.broadcast %and3A_231 : i32 to vector<16xi32>
        %and3A_233 = arith.andi %get3A_230, %and3A_232 : vector<16xi32>
        %mul3A_234 = arith.constant 64 : i32
        %mul3A_235 = vector.broadcast %mul3A_234 : i32 to vector<16xi32>
        %mul3A_236 = arith.muli %and3A_233, %mul3A_235 : vector<16xi32>
        %add3A_237 = arith.constant 2 : i32
        %add3A_238 = arith.addi %add3A_107, %add3A_237 : i32
        %lt3A_239 = arith.constant 50 : i32
        %lt3A_240 = arith.cmpi slt, %add3A_238, %lt3A_239 : i32
        %convert_element_type3A_241 = arith.extui %lt3A_240 : i1 to i32
        %cond3A_242 = arith.constant 0 : i32
        %cond3A_243 = arith.cmpi ne, %convert_element_type3A_241, %cond3A_242 : i32
        scf.if %cond3A_243 {
          %add3A_266 = arith.constant 2 : i32
          %add3A_267 = arith.addi %add3A_107, %add3A_266 : i32
          %dma_start3A_268 = arith.constant 2 : i32
          %dma_start3A_269 = arith.constant 0 : i32
          %dma_start3A_270 = arith.constant 0 : i32
          %dma_start3A_271 = tpu.memref_slice %arg7[%dma_start3A_268, %dma_start3A_269, %dma_start3A_270] : memref<3x128x128xf32, #tpu.memory_space<vmem>> -> memref<1x128x128xf32, #tpu.memory_space<vmem>>
          %dma_start3A_272 = tpu.memref_squeeze %dma_start3A_271 : memref<1x128x128xf32, #tpu.memory_space<vmem>> -> memref<128x128xf32, #tpu.memory_space<vmem>>
          %dma_start3A_273 = arith.constant 0 : i32
          %dma_start3A_274 = tpu.memref_slice %arg6[%add3A_267, %dma_start3A_273] : memref<50x128xi32, #tpu.memory_space<vmem>> -> memref<1x128xi32, #tpu.memory_space<vmem>>
          %dma_start3A_275 = tpu.memref_squeeze %dma_start3A_274 : memref<1x128xi32, #tpu.memory_space<vmem>> -> memref<128xi32, #tpu.memory_space<vmem>>
          %dma_start3A_276 = arith.constant 0 : i32
          %dma_start3A_277 = arith.constant 0 : i32
          %dma_start3A_278 = tpu.memref_slice %arg3[%dma_start3A_276, %dma_start3A_277] : memref<500000x128xf32, #tpu.memory_space<hbm>> -> memref<500000x128xf32, #tpu.memory_space<hbm>>
          tpu.enqueue_indirect_dma source(%dma_start3A_278 : memref<500000x128xf32, #tpu.memory_space<hbm>>) target(%dma_start3A_272 : memref<128x128xf32, #tpu.memory_space<vmem>>) offsets(%dma_start3A_275 : memref<128xi32, #tpu.memory_space<vmem>>) semaphore(%arg11 : memref<!tpu.dma_semaphore, #tpu.memory_space<semaphore_mem>>)
        } else {
        }
        %add3A_244 = arith.addi %mul3A_2, %add3A_107 : i32
        %div3A_245 = arith.constant 8 : i32
        %div3A_246 = arith.divsi %add3A_244, %div3A_245 : i32
        %rem3A_247 = arith.constant 8 : i32
        %rem3A_248 = arith.remsi %add3A_244, %rem3A_247 : i32
        %mul3A_249 = arith.constant 128 : i32
        %mul3A_250 = arith.muli %rem3A_248, %mul3A_249 : i32
        %dma_start3A_251 = arith.constant 0 : i32
        %dma_start3A_252 = arith.constant 0 : i32
        %dma_start3A_253 = arith.constant 0 : i32
        %dma_start3A_254 = tpu.memref_slice %arg8[%dma_start3A_251, %dma_start3A_252, %dma_start3A_253] : memref<3x64x128xf32, #tpu.memory_space<vmem>> -> memref<1x64x128xf32, #tpu.memory_space<vmem>>
        %dma_start3A_255 = tpu.memref_squeeze %dma_start3A_254 : memref<1x64x128xf32, #tpu.memory_space<vmem>> -> memref<64x128xf32, #tpu.memory_space<vmem>>
        %dma_start3A_256 = arith.constant 0 : i32
        %dma_start3A_257 = tpu.memref_slice %arg4[%div3A_246, %dma_start3A_256, %mul3A_250] : memref<200x64x1024xf32, #tpu.memory_space<hbm>> -> memref<1x64x128xf32, #tpu.memory_space<hbm>>
        %dma_start3A_258 = tpu.memref_squeeze %dma_start3A_257 : memref<1x64x128xf32, #tpu.memory_space<hbm>> -> memref<64x128xf32, #tpu.memory_space<hbm>>
        %dma_start3A_259 = arith.constant 0 : i32
        %dma_start3A_260 = tpu.memref_slice %arg4[%div3A_246, %dma_start3A_259, %mul3A_250] : memref<200x64x1024xf32, #tpu.memory_space<hbm>> -> memref<1x64x128xf32, #tpu.memory_space<hbm>>
        %dma_start3A_261 = tpu.memref_squeeze %dma_start3A_260 : memref<1x64x128xf32, #tpu.memory_space<hbm>> -> memref<64x128xf32, #tpu.memory_space<hbm>>
        %dma_start3A_262 = arith.constant 0 : i32
        %dma_start3A_263 = arith.constant 0 : i32
        %dma_start3A_264 = tpu.memref_slice %arg8[%dma_start3A_251, %dma_start3A_262, %dma_start3A_263] : memref<3x64x128xf32, #tpu.memory_space<vmem>> -> memref<1x64x128xf32, #tpu.memory_space<vmem>>
        %dma_start3A_265 = tpu.memref_squeeze %dma_start3A_264 : memref<1x64x128xf32, #tpu.memory_space<vmem>> -> memref<64x128xf32, #tpu.memory_space<vmem>>
        tpu.enqueue_dma source(%dma_start3A_265 : memref<64x128xf32, #tpu.memory_space<vmem>>) target(%dma_start3A_261 : memref<64x128xf32, #tpu.memory_space<hbm>>) target_semaphore(%arg12 : memref<!tpu.dma_semaphore, #tpu.memory_space<semaphore_mem>>)
      } else {
      }
      %mul3A_110 = arith.constant 3 : i32
      %mul3A_111 = arith.muli %mul3A_110, %scan3A_103 : i32
      %add3A_112 = arith.constant 1 : i32
      %add3A_113 = arith.addi %mul3A_111, %add3A_112 : i32
      %lt3A_114 = arith.constant 50 : i32
      %lt3A_115 = arith.cmpi slt, %add3A_113, %lt3A_114 : i32
      %convert_element_type3A_116 = arith.extui %lt3A_115 : i1 to i32
      %cond3A_117 = arith.constant 0 : i32
      %cond3A_118 = arith.cmpi ne, %convert_element_type3A_116, %cond3A_117 : i32
      scf.if %cond3A_118 {
        %dma_wait3A_128 = arith.constant 1 : i32
        %dma_wait3A_129 = arith.constant 0 : i32
        %dma_wait3A_130 = arith.constant 0 : i32
        %dma_wait3A_131 = tpu.memref_slice %arg7[%dma_wait3A_128, %dma_wait3A_129, %dma_wait3A_130] : memref<3x128x128xf32, #tpu.memory_space<vmem>> -> memref<1x128x128xf32, #tpu.memory_space<vmem>>
        %dma_wait3A_132 = tpu.memref_squeeze %dma_wait3A_131 : memref<1x128x128xf32, #tpu.memory_space<vmem>> -> memref<128x128xf32, #tpu.memory_space<vmem>>
        %dma_wait3A_133 = arith.constant 0 : i32
        %dma_wait3A_134 = tpu.memref_slice %arg6[%add3A_113, %dma_wait3A_133] : memref<50x128xi32, #tpu.memory_space<vmem>> -> memref<1x128xi32, #tpu.memory_space<vmem>>
        %dma_wait3A_135 = tpu.memref_squeeze %dma_wait3A_134 : memref<1x128xi32, #tpu.memory_space<vmem>> -> memref<128xi32, #tpu.memory_space<vmem>>
        %dma_wait3A_136 = arith.constant 0 : i32
        %dma_wait3A_137 = arith.constant 0 : i32
        %dma_wait3A_138 = tpu.memref_slice %arg3[%dma_wait3A_136, %dma_wait3A_137] : memref<500000x128xf32, #tpu.memory_space<hbm>> -> memref<500000x128xf32, #tpu.memory_space<hbm>>
        tpu.wait_indirect_dma semaphore(%arg10 : memref<!tpu.dma_semaphore, #tpu.memory_space<semaphore_mem>>) src(%dma_wait3A_138 : memref<500000x128xf32, #tpu.memory_space<hbm>>) dst(%dma_wait3A_132 : memref<128x128xf32, #tpu.memory_space<vmem>>)
        %ge3A = arith.constant 3 : i32
        %ge3A_139 = arith.cmpi sge, %add3A_113, %ge3A : i32
        %convert_element_type3A_140 = arith.extui %ge3A_139 : i1 to i32
        %cond3A_141 = arith.constant 0 : i32
        %cond3A_142 = arith.cmpi ne, %convert_element_type3A_140, %cond3A_141 : i32
        scf.if %cond3A_142 {
          %sub3A = arith.constant 3 : i32
          %sub3A_266 = arith.subi %add3A_113, %sub3A : i32
          %add3A_267 = arith.addi %mul3A_2, %sub3A_266 : i32
          %div3A_268 = arith.constant 8 : i32
          %div3A_269 = arith.divsi %add3A_267, %div3A_268 : i32
          %rem3A_270 = arith.constant 8 : i32
          %rem3A_271 = arith.remsi %add3A_267, %rem3A_270 : i32
          %mul3A_272 = arith.constant 128 : i32
          %mul3A_273 = arith.muli %rem3A_271, %mul3A_272 : i32
          %dma_wait3A_274 = arith.constant 1 : i32
          %dma_wait3A_275 = arith.constant 0 : i32
          %dma_wait3A_276 = arith.constant 0 : i32
          %dma_wait3A_277 = tpu.memref_slice %arg8[%dma_wait3A_274, %dma_wait3A_275, %dma_wait3A_276] : memref<3x64x128xf32, #tpu.memory_space<vmem>> -> memref<1x64x128xf32, #tpu.memory_space<vmem>>
          %dma_wait3A_278 = tpu.memref_squeeze %dma_wait3A_277 : memref<1x64x128xf32, #tpu.memory_space<vmem>> -> memref<64x128xf32, #tpu.memory_space<vmem>>
          %dma_wait3A_279 = arith.constant 0 : i32
          %dma_wait3A_280 = tpu.memref_slice %arg4[%div3A_269, %dma_wait3A_279, %mul3A_273] : memref<200x64x1024xf32, #tpu.memory_space<hbm>> -> memref<1x64x128xf32, #tpu.memory_space<hbm>>
          %dma_wait3A_281 = tpu.memref_squeeze %dma_wait3A_280 : memref<1x64x128xf32, #tpu.memory_space<hbm>> -> memref<64x128xf32, #tpu.memory_space<hbm>>
          %dma_wait3A_282 = arith.constant 0 : i32
          %dma_wait3A_283 = tpu.memref_slice %arg4[%div3A_269, %dma_wait3A_282, %mul3A_273] : memref<200x64x1024xf32, #tpu.memory_space<hbm>> -> memref<1x64x128xf32, #tpu.memory_space<hbm>>
          %dma_wait3A_284 = tpu.memref_squeeze %dma_wait3A_283 : memref<1x64x128xf32, #tpu.memory_space<hbm>> -> memref<64x128xf32, #tpu.memory_space<hbm>>
          %dma_wait3A_285 = arith.constant 0 : i32
          %dma_wait3A_286 = arith.constant 0 : i32
          %dma_wait3A_287 = tpu.memref_slice %arg8[%dma_wait3A_274, %dma_wait3A_285, %dma_wait3A_286] : memref<3x64x128xf32, #tpu.memory_space<vmem>> -> memref<1x64x128xf32, #tpu.memory_space<vmem>>
          %dma_wait3A_288 = tpu.memref_squeeze %dma_wait3A_287 : memref<1x64x128xf32, #tpu.memory_space<vmem>> -> memref<64x128xf32, #tpu.memory_space<vmem>>
          tpu.wait_dma2 semaphore(%arg13 : memref<!tpu.dma_semaphore, #tpu.memory_space<semaphore_mem>>) src(%dma_wait3A_288 : memref<64x128xf32, #tpu.memory_space<vmem>>) dst(%dma_wait3A_284 : memref<64x128xf32, #tpu.memory_space<hbm>>)
        } else {
        }
        %add3A_143 = arith.constant 0 : i32
        %add3A_144 = vector.broadcast %add3A_143 : i32 to vector<16xi32>
        %add3A_145 = arith.addi %add3A_144, %iota3A : vector<16xi32>
        %add3A_146 = arith.constant 16 : i32
        %add3A_147 = vector.broadcast %add3A_146 : i32 to vector<16xi32>
        %add3A_148 = arith.addi %add3A_147, %iota3A : vector<16xi32>
        %add3A_149 = arith.constant 32 : i32
        %add3A_150 = vector.broadcast %add3A_149 : i32 to vector<16xi32>
        %add3A_151 = arith.addi %add3A_150, %iota3A : vector<16xi32>
        %add3A_152 = arith.constant 48 : i32
        %add3A_153 = vector.broadcast %add3A_152 : i32 to vector<16xi32>
        %add3A_154 = arith.addi %add3A_153, %iota3A : vector<16xi32>
        %add3A_155 = arith.constant 64 : i32
        %add3A_156 = vector.broadcast %add3A_155 : i32 to vector<16xi32>
        %add3A_157 = arith.addi %add3A_156, %iota3A : vector<16xi32>
        %add3A_158 = arith.constant 80 : i32
        %add3A_159 = vector.broadcast %add3A_158 : i32 to vector<16xi32>
        %add3A_160 = arith.addi %add3A_159, %iota3A : vector<16xi32>
        %add3A_161 = arith.constant 96 : i32
        %add3A_162 = vector.broadcast %add3A_161 : i32 to vector<16xi32>
        %add3A_163 = arith.addi %add3A_162, %iota3A : vector<16xi32>
        %add3A_164 = arith.constant 112 : i32
        %add3A_165 = vector.broadcast %add3A_164 : i32 to vector<16xi32>
        %add3A_166 = arith.addi %add3A_165, %iota3A : vector<16xi32>
        %get3A = arith.index_cast %add3A_113 : i32 to index
        %get3A_167 = arith.constant 0 : index
        %get3A_168 = tpu.vector_load %arg5[%get3A, %get3A_167] {strides = array<i32>} : memref<50x128xi32, #tpu.memory_space<vmem>>, vector<16xi32>,
        %and3A = arith.constant 1 : i32
        %and3A_169 = vector.broadcast %and3A : i32 to vector<16xi32>
        %and3A_170 = arith.andi %get3A_168, %and3A_169 : vector<16xi32>
        %mul3A_171 = arith.constant 64 : i32
        %mul3A_172 = vector.broadcast %mul3A_171 : i32 to vector<16xi32>
        %mul3A_173 = arith.muli %and3A_170, %mul3A_172 : vector<16xi32>
        %get3A_174 = arith.index_cast %add3A_113 : i32 to index
        %get3A_175 = arith.constant 16 : index
        %get3A_176 = tpu.vector_load %arg5[%get3A_174, %get3A_175] {strides = array<i32>} : memref<50x128xi32, #tpu.memory_space<vmem>>, vector<16xi32>,
        %and3A_177 = arith.constant 1 : i32
        %and3A_178 = vector.broadcast %and3A_177 : i32 to vector<16xi32>
        %and3A_179 = arith.andi %get3A_176, %and3A_178 : vector<16xi32>
        %mul3A_180 = arith.constant 64 : i32
        %mul3A_181 = vector.broadcast %mul3A_180 : i32 to vector<16xi32>
        %mul3A_182 = arith.muli %and3A_179, %mul3A_181 : vector<16xi32>
        %get3A_183 = arith.index_cast %add3A_113 : i32 to index
        %get3A_184 = arith.constant 32 : index
        %get3A_185 = tpu.vector_load %arg5[%get3A_183, %get3A_184] {strides = array<i32>} : memref<50x128xi32, #tpu.memory_space<vmem>>, vector<16xi32>,
        %and3A_186 = arith.constant 1 : i32
        %and3A_187 = vector.broadcast %and3A_186 : i32 to vector<16xi32>
        %and3A_188 = arith.andi %get3A_185, %and3A_187 : vector<16xi32>
        %mul3A_189 = arith.constant 64 : i32
        %mul3A_190 = vector.broadcast %mul3A_189 : i32 to vector<16xi32>
        %mul3A_191 = arith.muli %and3A_188, %mul3A_190 : vector<16xi32>
        %get3A_192 = arith.index_cast %add3A_113 : i32 to index
        %get3A_193 = arith.constant 48 : index
        %get3A_194 = tpu.vector_load %arg5[%get3A_192, %get3A_193] {strides = array<i32>} : memref<50x128xi32, #tpu.memory_space<vmem>>, vector<16xi32>,
        %and3A_195 = arith.constant 1 : i32
        %and3A_196 = vector.broadcast %and3A_195 : i32 to vector<16xi32>
        %and3A_197 = arith.andi %get3A_194, %and3A_196 : vector<16xi32>
        %mul3A_198 = arith.constant 64 : i32
        %mul3A_199 = vector.broadcast %mul3A_198 : i32 to vector<16xi32>
        %mul3A_200 = arith.muli %and3A_197, %mul3A_199 : vector<16xi32>
        %get3A_201 = arith.index_cast %add3A_113 : i32 to index
        %get3A_202 = arith.constant 64 : index
        %get3A_203 = tpu.vector_load %arg5[%get3A_201, %get3A_202] {strides = array<i32>} : memref<50x128xi32, #tpu.memory_space<vmem>>, vector<16xi32>,
        %and3A_204 = arith.constant 1 : i32
        %and3A_205 = vector.broadcast %and3A_204 : i32 to vector<16xi32>
        %and3A_206 = arith.andi %get3A_203, %and3A_205 : vector<16xi32>
        %mul3A_207 = arith.constant 64 : i32
        %mul3A_208 = vector.broadcast %mul3A_207 : i32 to vector<16xi32>
        %mul3A_209 = arith.muli %and3A_206, %mul3A_208 : vector<16xi32>
        %get3A_210 = arith.index_cast %add3A_113 : i32 to index
        %get3A_211 = arith.constant 80 : index
        %get3A_212 = tpu.vector_load %arg5[%get3A_210, %get3A_211] {strides = array<i32>} : memref<50x128xi32, #tpu.memory_space<vmem>>, vector<16xi32>,
        %and3A_213 = arith.constant 1 : i32
        %and3A_214 = vector.broadcast %and3A_213 : i32 to vector<16xi32>
        %and3A_215 = arith.andi %get3A_212, %and3A_214 : vector<16xi32>
        %mul3A_216 = arith.constant 64 : i32
        %mul3A_217 = vector.broadcast %mul3A_216 : i32 to vector<16xi32>
        %mul3A_218 = arith.muli %and3A_215, %mul3A_217 : vector<16xi32>
        %get3A_219 = arith.index_cast %add3A_113 : i32 to index
        %get3A_220 = arith.constant 96 : index
        %get3A_221 = tpu.vector_load %arg5[%get3A_219, %get3A_220] {strides = array<i32>} : memref<50x128xi32, #tpu.memory_space<vmem>>, vector<16xi32>,
        %and3A_222 = arith.constant 1 : i32
        %and3A_223 = vector.broadcast %and3A_222 : i32 to vector<16xi32>
        %and3A_224 = arith.andi %get3A_221, %and3A_223 : vector<16xi32>
        %mul3A_225 = arith.constant 64 : i32
        %mul3A_226 = vector.broadcast %mul3A_225 : i32 to vector<16xi32>
        %mul3A_227 = arith.muli %and3A_224, %mul3A_226 : vector<16xi32>
        %get3A_228 = arith.index_cast %add3A_113 : i32 to index
        %get3A_229 = arith.constant 112 : index
        %get3A_230 = tpu.vector_load %arg5[%get3A_228, %get3A_229] {strides = array<i32>} : memref<50x128xi32, #tpu.memory_space<vmem>>, vector<16xi32>,
        %and3A_231 = arith.constant 1 : i32
        %and3A_232 = vector.broadcast %and3A_231 : i32 to vector<16xi32>
        %and3A_233 = arith.andi %get3A_230, %and3A_232 : vector<16xi32>
        %mul3A_234 = arith.constant 64 : i32
        %mul3A_235 = vector.broadcast %mul3A_234 : i32 to vector<16xi32>
        %mul3A_236 = arith.muli %and3A_233, %mul3A_235 : vector<16xi32>
        %add3A_237 = arith.constant 2 : i32
        %add3A_238 = arith.addi %add3A_113, %add3A_237 : i32
        %lt3A_239 = arith.constant 50 : i32
        %lt3A_240 = arith.cmpi slt, %add3A_238, %lt3A_239 : i32
        %convert_element_type3A_241 = arith.extui %lt3A_240 : i1 to i32
        %cond3A_242 = arith.constant 0 : i32
        %cond3A_243 = arith.cmpi ne, %convert_element_type3A_241, %cond3A_242 : i32
        scf.if %cond3A_243 {
          %add3A_266 = arith.constant 2 : i32
          %add3A_267 = arith.addi %add3A_113, %add3A_266 : i32
          %dma_start3A_268 = arith.constant 0 : i32
          %dma_start3A_269 = arith.constant 0 : i32
          %dma_start3A_270 = arith.constant 0 : i32
          %dma_start3A_271 = tpu.memref_slice %arg7[%dma_start3A_268, %dma_start3A_269, %dma_start3A_270] : memref<3x128x128xf32, #tpu.memory_space<vmem>> -> memref<1x128x128xf32, #tpu.memory_space<vmem>>
          %dma_start3A_272 = tpu.memref_squeeze %dma_start3A_271 : memref<1x128x128xf32, #tpu.memory_space<vmem>> -> memref<128x128xf32, #tpu.memory_space<vmem>>
          %dma_start3A_273 = arith.constant 0 : i32
          %dma_start3A_274 = tpu.memref_slice %arg6[%add3A_267, %dma_start3A_273] : memref<50x128xi32, #tpu.memory_space<vmem>> -> memref<1x128xi32, #tpu.memory_space<vmem>>
          %dma_start3A_275 = tpu.memref_squeeze %dma_start3A_274 : memref<1x128xi32, #tpu.memory_space<vmem>> -> memref<128xi32, #tpu.memory_space<vmem>>
          %dma_start3A_276 = arith.constant 0 : i32
          %dma_start3A_277 = arith.constant 0 : i32
          %dma_start3A_278 = tpu.memref_slice %arg3[%dma_start3A_276, %dma_start3A_277] : memref<500000x128xf32, #tpu.memory_space<hbm>> -> memref<500000x128xf32, #tpu.memory_space<hbm>>
          tpu.enqueue_indirect_dma source(%dma_start3A_278 : memref<500000x128xf32, #tpu.memory_space<hbm>>) target(%dma_start3A_272 : memref<128x128xf32, #tpu.memory_space<vmem>>) offsets(%dma_start3A_275 : memref<128xi32, #tpu.memory_space<vmem>>) semaphore(%arg9 : memref<!tpu.dma_semaphore, #tpu.memory_space<semaphore_mem>>)
        } else {
        }
        %add3A_244 = arith.addi %mul3A_2, %add3A_113 : i32
        %div3A_245 = arith.constant 8 : i32
        %div3A_246 = arith.divsi %add3A_244, %div3A_245 : i32
        %rem3A_247 = arith.constant 8 : i32
        %rem3A_248 = arith.remsi %add3A_244, %rem3A_247 : i32
        %mul3A_249 = arith.constant 128 : i32
        %mul3A_250 = arith.muli %rem3A_248, %mul3A_249 : i32
        %dma_start3A_251 = arith.constant 1 : i32
        %dma_start3A_252 = arith.constant 0 : i32
        %dma_start3A_253 = arith.constant 0 : i32
        %dma_start3A_254 = tpu.memref_slice %arg8[%dma_start3A_251, %dma_start3A_252, %dma_start3A_253] : memref<3x64x128xf32, #tpu.memory_space<vmem>> -> memref<1x64x128xf32, #tpu.memory_space<vmem>>
        %dma_start3A_255 = tpu.memref_squeeze %dma_start3A_254 : memref<1x64x128xf32, #tpu.memory_space<vmem>> -> memref<64x128xf32, #tpu.memory_space<vmem>>
        %dma_start3A_256 = arith.constant 0 : i32
        %dma_start3A_257 = tpu.memref_slice %arg4[%div3A_246, %dma_start3A_256, %mul3A_250] : memref<200x64x1024xf32, #tpu.memory_space<hbm>> -> memref<1x64x128xf32, #tpu.memory_space<hbm>>
        %dma_start3A_258 = tpu.memref_squeeze %dma_start3A_257 : memref<1x64x128xf32, #tpu.memory_space<hbm>> -> memref<64x128xf32, #tpu.memory_space<hbm>>
        %dma_start3A_259 = arith.constant 0 : i32
        %dma_start3A_260 = tpu.memref_slice %arg4[%div3A_246, %dma_start3A_259, %mul3A_250] : memref<200x64x1024xf32, #tpu.memory_space<hbm>> -> memref<1x64x128xf32, #tpu.memory_space<hbm>>
        %dma_start3A_261 = tpu.memref_squeeze %dma_start3A_260 : memref<1x64x128xf32, #tpu.memory_space<hbm>> -> memref<64x128xf32, #tpu.memory_space<hbm>>
        %dma_start3A_262 = arith.constant 0 : i32
        %dma_start3A_263 = arith.constant 0 : i32
        %dma_start3A_264 = tpu.memref_slice %arg8[%dma_start3A_251, %dma_start3A_262, %dma_start3A_263] : memref<3x64x128xf32, #tpu.memory_space<vmem>> -> memref<1x64x128xf32, #tpu.memory_space<vmem>>
        %dma_start3A_265 = tpu.memref_squeeze %dma_start3A_264 : memref<1x64x128xf32, #tpu.memory_space<vmem>> -> memref<64x128xf32, #tpu.memory_space<vmem>>
        tpu.enqueue_dma source(%dma_start3A_265 : memref<64x128xf32, #tpu.memory_space<vmem>>) target(%dma_start3A_261 : memref<64x128xf32, #tpu.memory_space<hbm>>) target_semaphore(%arg13 : memref<!tpu.dma_semaphore, #tpu.memory_space<semaphore_mem>>)
      } else {
      }
      %mul3A_119 = arith.constant 3 : i32
      %mul3A_120 = arith.muli %mul3A_119, %scan3A_103 : i32
      %add3A_121 = arith.constant 2 : i32
      %add3A_122 = arith.addi %mul3A_120, %add3A_121 : i32
      %lt3A_123 = arith.constant 50 : i32
      %lt3A_124 = arith.cmpi slt, %add3A_122, %lt3A_123 : i32
      %convert_element_type3A_125 = arith.extui %lt3A_124 : i1 to i32
      %cond3A_126 = arith.constant 0 : i32
      %cond3A_127 = arith.cmpi ne, %convert_element_type3A_125, %cond3A_126 : i32
      scf.if %cond3A_127 {
        %dma_wait3A_128 = arith.constant 2 : i32
        %dma_wait3A_129 = arith.constant 0 : i32
        %dma_wait3A_130 = arith.constant 0 : i32
        %dma_wait3A_131 = tpu.memref_slice %arg7[%dma_wait3A_128, %dma_wait3A_129, %dma_wait3A_130] : memref<3x128x128xf32, #tpu.memory_space<vmem>> -> memref<1x128x128xf32, #tpu.memory_space<vmem>>
        %dma_wait3A_132 = tpu.memref_squeeze %dma_wait3A_131 : memref<1x128x128xf32, #tpu.memory_space<vmem>> -> memref<128x128xf32, #tpu.memory_space<vmem>>
        %dma_wait3A_133 = arith.constant 0 : i32
        %dma_wait3A_134 = tpu.memref_slice %arg6[%add3A_122, %dma_wait3A_133] : memref<50x128xi32, #tpu.memory_space<vmem>> -> memref<1x128xi32, #tpu.memory_space<vmem>>
        %dma_wait3A_135 = tpu.memref_squeeze %dma_wait3A_134 : memref<1x128xi32, #tpu.memory_space<vmem>> -> memref<128xi32, #tpu.memory_space<vmem>>
        %dma_wait3A_136 = arith.constant 0 : i32
        %dma_wait3A_137 = arith.constant 0 : i32
        %dma_wait3A_138 = tpu.memref_slice %arg3[%dma_wait3A_136, %dma_wait3A_137] : memref<500000x128xf32, #tpu.memory_space<hbm>> -> memref<500000x128xf32, #tpu.memory_space<hbm>>
        tpu.wait_indirect_dma semaphore(%arg11 : memref<!tpu.dma_semaphore, #tpu.memory_space<semaphore_mem>>) src(%dma_wait3A_138 : memref<500000x128xf32, #tpu.memory_space<hbm>>) dst(%dma_wait3A_132 : memref<128x128xf32, #tpu.memory_space<vmem>>)
        %ge3A = arith.constant 3 : i32
        %ge3A_139 = arith.cmpi sge, %add3A_122, %ge3A : i32
        %convert_element_type3A_140 = arith.extui %ge3A_139 : i1 to i32
        %cond3A_141 = arith.constant 0 : i32
        %cond3A_142 = arith.cmpi ne, %convert_element_type3A_140, %cond3A_141 : i32
        scf.if %cond3A_142 {
          %sub3A = arith.constant 3 : i32
          %sub3A_266 = arith.subi %add3A_122, %sub3A : i32
          %add3A_267 = arith.addi %mul3A_2, %sub3A_266 : i32
          %div3A_268 = arith.constant 8 : i32
          %div3A_269 = arith.divsi %add3A_267, %div3A_268 : i32
          %rem3A_270 = arith.constant 8 : i32
          %rem3A_271 = arith.remsi %add3A_267, %rem3A_270 : i32
          %mul3A_272 = arith.constant 128 : i32
          %mul3A_273 = arith.muli %rem3A_271, %mul3A_272 : i32
          %dma_wait3A_274 = arith.constant 2 : i32
          %dma_wait3A_275 = arith.constant 0 : i32
          %dma_wait3A_276 = arith.constant 0 : i32
          %dma_wait3A_277 = tpu.memref_slice %arg8[%dma_wait3A_274, %dma_wait3A_275, %dma_wait3A_276] : memref<3x64x128xf32, #tpu.memory_space<vmem>> -> memref<1x64x128xf32, #tpu.memory_space<vmem>>
          %dma_wait3A_278 = tpu.memref_squeeze %dma_wait3A_277 : memref<1x64x128xf32, #tpu.memory_space<vmem>> -> memref<64x128xf32, #tpu.memory_space<vmem>>
          %dma_wait3A_279 = arith.constant 0 : i32
          %dma_wait3A_280 = tpu.memref_slice %arg4[%div3A_269, %dma_wait3A_279, %mul3A_273] : memref<200x64x1024xf32, #tpu.memory_space<hbm>> -> memref<1x64x128xf32, #tpu.memory_space<hbm>>
          %dma_wait3A_281 = tpu.memref_squeeze %dma_wait3A_280 : memref<1x64x128xf32, #tpu.memory_space<hbm>> -> memref<64x128xf32, #tpu.memory_space<hbm>>
          %dma_wait3A_282 = arith.constant 0 : i32
          %dma_wait3A_283 = tpu.memref_slice %arg4[%div3A_269, %dma_wait3A_282, %mul3A_273] : memref<200x64x1024xf32, #tpu.memory_space<hbm>> -> memref<1x64x128xf32, #tpu.memory_space<hbm>>
          %dma_wait3A_284 = tpu.memref_squeeze %dma_wait3A_283 : memref<1x64x128xf32, #tpu.memory_space<hbm>> -> memref<64x128xf32, #tpu.memory_space<hbm>>
          %dma_wait3A_285 = arith.constant 0 : i32
          %dma_wait3A_286 = arith.constant 0 : i32
          %dma_wait3A_287 = tpu.memref_slice %arg8[%dma_wait3A_274, %dma_wait3A_285, %dma_wait3A_286] : memref<3x64x128xf32, #tpu.memory_space<vmem>> -> memref<1x64x128xf32, #tpu.memory_space<vmem>>
          %dma_wait3A_288 = tpu.memref_squeeze %dma_wait3A_287 : memref<1x64x128xf32, #tpu.memory_space<vmem>> -> memref<64x128xf32, #tpu.memory_space<vmem>>
          tpu.wait_dma2 semaphore(%arg14 : memref<!tpu.dma_semaphore, #tpu.memory_space<semaphore_mem>>) src(%dma_wait3A_288 : memref<64x128xf32, #tpu.memory_space<vmem>>) dst(%dma_wait3A_284 : memref<64x128xf32, #tpu.memory_space<hbm>>)
        } else {
        }
        %add3A_143 = arith.constant 0 : i32
        %add3A_144 = vector.broadcast %add3A_143 : i32 to vector<16xi32>
        %add3A_145 = arith.addi %add3A_144, %iota3A : vector<16xi32>
        %add3A_146 = arith.constant 16 : i32
        %add3A_147 = vector.broadcast %add3A_146 : i32 to vector<16xi32>
        %add3A_148 = arith.addi %add3A_147, %iota3A : vector<16xi32>
        %add3A_149 = arith.constant 32 : i32
        %add3A_150 = vector.broadcast %add3A_149 : i32 to vector<16xi32>
        %add3A_151 = arith.addi %add3A_150, %iota3A : vector<16xi32>
        %add3A_152 = arith.constant 48 : i32
        %add3A_153 = vector.broadcast %add3A_152 : i32 to vector<16xi32>
        %add3A_154 = arith.addi %add3A_153, %iota3A : vector<16xi32>
        %add3A_155 = arith.constant 64 : i32
        %add3A_156 = vector.broadcast %add3A_155 : i32 to vector<16xi32>
        %add3A_157 = arith.addi %add3A_156, %iota3A : vector<16xi32>
        %add3A_158 = arith.constant 80 : i32
        %add3A_159 = vector.broadcast %add3A_158 : i32 to vector<16xi32>
        %add3A_160 = arith.addi %add3A_159, %iota3A : vector<16xi32>
        %add3A_161 = arith.constant 96 : i32
        %add3A_162 = vector.broadcast %add3A_161 : i32 to vector<16xi32>
        %add3A_163 = arith.addi %add3A_162, %iota3A : vector<16xi32>
        %add3A_164 = arith.constant 112 : i32
        %add3A_165 = vector.broadcast %add3A_164 : i32 to vector<16xi32>
        %add3A_166 = arith.addi %add3A_165, %iota3A : vector<16xi32>
        %get3A = arith.index_cast %add3A_122 : i32 to index
        %get3A_167 = arith.constant 0 : index
        %get3A_168 = tpu.vector_load %arg5[%get3A, %get3A_167] {strides = array<i32>} : memref<50x128xi32, #tpu.memory_space<vmem>>, vector<16xi32>,
        %and3A = arith.constant 1 : i32
        %and3A_169 = vector.broadcast %and3A : i32 to vector<16xi32>
        %and3A_170 = arith.andi %get3A_168, %and3A_169 : vector<16xi32>
        %mul3A_171 = arith.constant 64 : i32
        %mul3A_172 = vector.broadcast %mul3A_171 : i32 to vector<16xi32>
        %mul3A_173 = arith.muli %and3A_170, %mul3A_172 : vector<16xi32>
        %get3A_174 = arith.index_cast %add3A_122 : i32 to index
        %get3A_175 = arith.constant 16 : index
        %get3A_176 = tpu.vector_load %arg5[%get3A_174, %get3A_175] {strides = array<i32>} : memref<50x128xi32, #tpu.memory_space<vmem>>, vector<16xi32>,
        %and3A_177 = arith.constant 1 : i32
        %and3A_178 = vector.broadcast %and3A_177 : i32 to vector<16xi32>
        %and3A_179 = arith.andi %get3A_176, %and3A_178 : vector<16xi32>
        %mul3A_180 = arith.constant 64 : i32
        %mul3A_181 = vector.broadcast %mul3A_180 : i32 to vector<16xi32>
        %mul3A_182 = arith.muli %and3A_179, %mul3A_181 : vector<16xi32>
        %get3A_183 = arith.index_cast %add3A_122 : i32 to index
        %get3A_184 = arith.constant 32 : index
        %get3A_185 = tpu.vector_load %arg5[%get3A_183, %get3A_184] {strides = array<i32>} : memref<50x128xi32, #tpu.memory_space<vmem>>, vector<16xi32>,
        %and3A_186 = arith.constant 1 : i32
        %and3A_187 = vector.broadcast %and3A_186 : i32 to vector<16xi32>
        %and3A_188 = arith.andi %get3A_185, %and3A_187 : vector<16xi32>
        %mul3A_189 = arith.constant 64 : i32
        %mul3A_190 = vector.broadcast %mul3A_189 : i32 to vector<16xi32>
        %mul3A_191 = arith.muli %and3A_188, %mul3A_190 : vector<16xi32>
        %get3A_192 = arith.index_cast %add3A_122 : i32 to index
        %get3A_193 = arith.constant 48 : index
        %get3A_194 = tpu.vector_load %arg5[%get3A_192, %get3A_193] {strides = array<i32>} : memref<50x128xi32, #tpu.memory_space<vmem>>, vector<16xi32>,
        %and3A_195 = arith.constant 1 : i32
        %and3A_196 = vector.broadcast %and3A_195 : i32 to vector<16xi32>
        %and3A_197 = arith.andi %get3A_194, %and3A_196 : vector<16xi32>
        %mul3A_198 = arith.constant 64 : i32
        %mul3A_199 = vector.broadcast %mul3A_198 : i32 to vector<16xi32>
        %mul3A_200 = arith.muli %and3A_197, %mul3A_199 : vector<16xi32>
        %get3A_201 = arith.index_cast %add3A_122 : i32 to index
        %get3A_202 = arith.constant 64 : index
        %get3A_203 = tpu.vector_load %arg5[%get3A_201, %get3A_202] {strides = array<i32>} : memref<50x128xi32, #tpu.memory_space<vmem>>, vector<16xi32>,
        %and3A_204 = arith.constant 1 : i32
        %and3A_205 = vector.broadcast %and3A_204 : i32 to vector<16xi32>
        %and3A_206 = arith.andi %get3A_203, %and3A_205 : vector<16xi32>
        %mul3A_207 = arith.constant 64 : i32
        %mul3A_208 = vector.broadcast %mul3A_207 : i32 to vector<16xi32>
        %mul3A_209 = arith.muli %and3A_206, %mul3A_208 : vector<16xi32>
        %get3A_210 = arith.index_cast %add3A_122 : i32 to index
        %get3A_211 = arith.constant 80 : index
        %get3A_212 = tpu.vector_load %arg5[%get3A_210, %get3A_211] {strides = array<i32>} : memref<50x128xi32, #tpu.memory_space<vmem>>, vector<16xi32>,
        %and3A_213 = arith.constant 1 : i32
        %and3A_214 = vector.broadcast %and3A_213 : i32 to vector<16xi32>
        %and3A_215 = arith.andi %get3A_212, %and3A_214 : vector<16xi32>
        %mul3A_216 = arith.constant 64 : i32
        %mul3A_217 = vector.broadcast %mul3A_216 : i32 to vector<16xi32>
        %mul3A_218 = arith.muli %and3A_215, %mul3A_217 : vector<16xi32>
        %get3A_219 = arith.index_cast %add3A_122 : i32 to index
        %get3A_220 = arith.constant 96 : index
        %get3A_221 = tpu.vector_load %arg5[%get3A_219, %get3A_220] {strides = array<i32>} : memref<50x128xi32, #tpu.memory_space<vmem>>, vector<16xi32>,
        %and3A_222 = arith.constant 1 : i32
        %and3A_223 = vector.broadcast %and3A_222 : i32 to vector<16xi32>
        %and3A_224 = arith.andi %get3A_221, %and3A_223 : vector<16xi32>
        %mul3A_225 = arith.constant 64 : i32
        %mul3A_226 = vector.broadcast %mul3A_225 : i32 to vector<16xi32>
        %mul3A_227 = arith.muli %and3A_224, %mul3A_226 : vector<16xi32>
        %get3A_228 = arith.index_cast %add3A_122 : i32 to index
        %get3A_229 = arith.constant 112 : index
        %get3A_230 = tpu.vector_load %arg5[%get3A_228, %get3A_229] {strides = array<i32>} : memref<50x128xi32, #tpu.memory_space<vmem>>, vector<16xi32>,
        %and3A_231 = arith.constant 1 : i32
        %and3A_232 = vector.broadcast %and3A_231 : i32 to vector<16xi32>
        %and3A_233 = arith.andi %get3A_230, %and3A_232 : vector<16xi32>
        %mul3A_234 = arith.constant 64 : i32
        %mul3A_235 = vector.broadcast %mul3A_234 : i32 to vector<16xi32>
        %mul3A_236 = arith.muli %and3A_233, %mul3A_235 : vector<16xi32>
        %add3A_237 = arith.constant 2 : i32
        %add3A_238 = arith.addi %add3A_122, %add3A_237 : i32
        %lt3A_239 = arith.constant 50 : i32
        %lt3A_240 = arith.cmpi slt, %add3A_238, %lt3A_239 : i32
        %convert_element_type3A_241 = arith.extui %lt3A_240 : i1 to i32
        %cond3A_242 = arith.constant 0 : i32
        %cond3A_243 = arith.cmpi ne, %convert_element_type3A_241, %cond3A_242 : i32
        scf.if %cond3A_243 {
          %add3A_266 = arith.constant 2 : i32
          %add3A_267 = arith.addi %add3A_122, %add3A_266 : i32
          %dma_start3A_268 = arith.constant 1 : i32
          %dma_start3A_269 = arith.constant 0 : i32
          %dma_start3A_270 = arith.constant 0 : i32
          %dma_start3A_271 = tpu.memref_slice %arg7[%dma_start3A_268, %dma_start3A_269, %dma_start3A_270] : memref<3x128x128xf32, #tpu.memory_space<vmem>> -> memref<1x128x128xf32, #tpu.memory_space<vmem>>
          %dma_start3A_272 = tpu.memref_squeeze %dma_start3A_271 : memref<1x128x128xf32, #tpu.memory_space<vmem>> -> memref<128x128xf32, #tpu.memory_space<vmem>>
          %dma_start3A_273 = arith.constant 0 : i32
          %dma_start3A_274 = tpu.memref_slice %arg6[%add3A_267, %dma_start3A_273] : memref<50x128xi32, #tpu.memory_space<vmem>> -> memref<1x128xi32, #tpu.memory_space<vmem>>
          %dma_start3A_275 = tpu.memref_squeeze %dma_start3A_274 : memref<1x128xi32, #tpu.memory_space<vmem>> -> memref<128xi32, #tpu.memory_space<vmem>>
          %dma_start3A_276 = arith.constant 0 : i32
          %dma_start3A_277 = arith.constant 0 : i32
          %dma_start3A_278 = tpu.memref_slice %arg3[%dma_start3A_276, %dma_start3A_277] : memref<500000x128xf32, #tpu.memory_space<hbm>> -> memref<500000x128xf32, #tpu.memory_space<hbm>>
          tpu.enqueue_indirect_dma source(%dma_start3A_278 : memref<500000x128xf32, #tpu.memory_space<hbm>>) target(%dma_start3A_272 : memref<128x128xf32, #tpu.memory_space<vmem>>) offsets(%dma_start3A_275 : memref<128xi32, #tpu.memory_space<vmem>>) semaphore(%arg10 : memref<!tpu.dma_semaphore, #tpu.memory_space<semaphore_mem>>)
        } else {
        }
        %add3A_244 = arith.addi %mul3A_2, %add3A_122 : i32
        %div3A_245 = arith.constant 8 : i32
        %div3A_246 = arith.divsi %add3A_244, %div3A_245 : i32
        %rem3A_247 = arith.constant 8 : i32
        %rem3A_248 = arith.remsi %add3A_244, %rem3A_247 : i32
        %mul3A_249 = arith.constant 128 : i32
        %mul3A_250 = arith.muli %rem3A_248, %mul3A_249 : i32
        %dma_start3A_251 = arith.constant 2 : i32
        %dma_start3A_252 = arith.constant 0 : i32
        %dma_start3A_253 = arith.constant 0 : i32
        %dma_start3A_254 = tpu.memref_slice %arg8[%dma_start3A_251, %dma_start3A_252, %dma_start3A_253] : memref<3x64x128xf32, #tpu.memory_space<vmem>> -> memref<1x64x128xf32, #tpu.memory_space<vmem>>
        %dma_start3A_255 = tpu.memref_squeeze %dma_start3A_254 : memref<1x64x128xf32, #tpu.memory_space<vmem>> -> memref<64x128xf32, #tpu.memory_space<vmem>>
        %dma_start3A_256 = arith.constant 0 : i32
        %dma_start3A_257 = tpu.memref_slice %arg4[%div3A_246, %dma_start3A_256, %mul3A_250] : memref<200x64x1024xf32, #tpu.memory_space<hbm>> -> memref<1x64x128xf32, #tpu.memory_space<hbm>>
        %dma_start3A_258 = tpu.memref_squeeze %dma_start3A_257 : memref<1x64x128xf32, #tpu.memory_space<hbm>> -> memref<64x128xf32, #tpu.memory_space<hbm>>
        %dma_start3A_259 = arith.constant 0 : i32
        %dma_start3A_260 = tpu.memref_slice %arg4[%div3A_246, %dma_start3A_259, %mul3A_250] : memref<200x64x1024xf32, #tpu.memory_space<hbm>> -> memref<1x64x128xf32, #tpu.memory_space<hbm>>
        %dma_start3A_261 = tpu.memref_squeeze %dma_start3A_260 : memref<1x64x128xf32, #tpu.memory_space<hbm>> -> memref<64x128xf32, #tpu.memory_space<hbm>>
        %dma_start3A_262 = arith.constant 0 : i32
        %dma_start3A_263 = arith.constant 0 : i32
        %dma_start3A_264 = tpu.memref_slice %arg8[%dma_start3A_251, %dma_start3A_262, %dma_start3A_263] : memref<3x64x128xf32, #tpu.memory_space<vmem>> -> memref<1x64x128xf32, #tpu.memory_space<vmem>>
        %dma_start3A_265 = tpu.memref_squeeze %dma_start3A_264 : memref<1x64x128xf32, #tpu.memory_space<vmem>> -> memref<64x128xf32, #tpu.memory_space<vmem>>
        tpu.enqueue_dma source(%dma_start3A_265 : memref<64x128xf32, #tpu.memory_space<vmem>>) target(%dma_start3A_261 : memref<64x128xf32, #tpu.memory_space<hbm>>) target_semaphore(%arg14 : memref<!tpu.dma_semaphore, #tpu.memory_space<semaphore_mem>>)
      } else {
      }
    }
    %scan3A_36 = arith.constant 17 : i32
    %add3A_37 = arith.constant 47 : i32
    %add3A_38 = arith.addi %mul3A_2, %add3A_37 : i32
    %div3A = arith.constant 8 : i32
    %div3A_39 = arith.divsi %add3A_38, %div3A : i32
    %rem3A = arith.constant 8 : i32
    %rem3A_40 = arith.remsi %add3A_38, %rem3A : i32
    %mul3A_41 = arith.constant 128 : i32
    %mul3A_42 = arith.muli %rem3A_40, %mul3A_41 : i32
    %dma_wait3A = arith.constant 2 : i32
    %dma_wait3A_43 = arith.constant 0 : i32
    %dma_wait3A_44 = arith.constant 0 : i32
    %dma_wait3A_45 = tpu.memref_slice %arg8[%dma_wait3A, %dma_wait3A_43, %dma_wait3A_44] : memref<3x64x128xf32, #tpu.memory_space<vmem>> -> memref<1x64x128xf32, #tpu.memory_space<vmem>>
    %dma_wait3A_46 = tpu.memref_squeeze %dma_wait3A_45 : memref<1x64x128xf32, #tpu.memory_space<vmem>> -> memref<64x128xf32, #tpu.memory_space<vmem>>
    %dma_wait3A_47 = arith.constant 0 : i32
    %dma_wait3A_48 = tpu.memref_slice %arg4[%div3A_39, %dma_wait3A_47, %mul3A_42] : memref<200x64x1024xf32, #tpu.memory_space<hbm>> -> memref<1x64x128xf32, #tpu.memory_space<hbm>>
    %dma_wait3A_49 = tpu.memref_squeeze %dma_wait3A_48 : memref<1x64x128xf32, #tpu.memory_space<hbm>> -> memref<64x128xf32, #tpu.memory_space<hbm>>
    %dma_wait3A_50 = arith.constant 0 : i32
    %dma_wait3A_51 = tpu.memref_slice %arg4[%div3A_39, %dma_wait3A_50, %mul3A_42] : memref<200x64x1024xf32, #tpu.memory_space<hbm>> -> memref<1x64x128xf32, #tpu.memory_space<hbm>>
    %dma_wait3A_52 = tpu.memref_squeeze %dma_wait3A_51 : memref<1x64x128xf32, #tpu.memory_space<hbm>> -> memref<64x128xf32, #tpu.memory_space<hbm>>
    %dma_wait3A_53 = arith.constant 0 : i32
    %dma_wait3A_54 = arith.constant 0 : i32
    %dma_wait3A_55 = tpu.memref_slice %arg8[%dma_wait3A, %dma_wait3A_53, %dma_wait3A_54] : memref<3x64x128xf32, #tpu.memory_space<vmem>> -> memref<1x64x128xf32, #tpu.memory_space<vmem>>
    %dma_wait3A_56 = tpu.memref_squeeze %dma_wait3A_55 : memref<1x64x128xf32, #tpu.memory_space<vmem>> -> memref<64x128xf32, #tpu.memory_space<vmem>>
    tpu.wait_dma2 semaphore(%arg14 : memref<!tpu.dma_semaphore, #tpu.memory_space<semaphore_mem>>) src(%dma_wait3A_56 : memref<64x128xf32, #tpu.memory_space<vmem>>) dst(%dma_wait3A_52 : memref<64x128xf32, #tpu.memory_space<hbm>>)
    %add3A_57 = arith.constant 48 : i32
    %add3A_58 = arith.addi %mul3A_2, %add3A_57 : i32
    %div3A_59 = arith.constant 8 : i32
    %div3A_60 = arith.divsi %add3A_58, %div3A_59 : i32
    %rem3A_61 = arith.constant 8 : i32
    %rem3A_62 = arith.remsi %add3A_58, %rem3A_61 : i32
    %mul3A_63 = arith.constant 128 : i32
    %mul3A_64 = arith.muli %rem3A_62, %mul3A_63 : i32
    %dma_wait3A_65 = arith.constant 0 : i32
    %dma_wait3A_66 = arith.constant 0 : i32
    %dma_wait3A_67 = arith.constant 0 : i32
    %dma_wait3A_68 = tpu.memref_slice %arg8[%dma_wait3A_65, %dma_wait3A_66, %dma_wait3A_67] : memref<3x64x128xf32, #tpu.memory_space<vmem>> -> memref<1x64x128xf32, #tpu.memory_space<vmem>>
    %dma_wait3A_69 = tpu.memref_squeeze %dma_wait3A_68 : memref<1x64x128xf32, #tpu.memory_space<vmem>> -> memref<64x128xf32, #tpu.memory_space<vmem>>
    %dma_wait3A_70 = arith.constant 0 : i32
    %dma_wait3A_71 = tpu.memref_slice %arg4[%div3A_60, %dma_wait3A_70, %mul3A_64] : memref<200x64x1024xf32, #tpu.memory_space<hbm>> -> memref<1x64x128xf32, #tpu.memory_space<hbm>>
    %dma_wait3A_72 = tpu.memref_squeeze %dma_wait3A_71 : memref<1x64x128xf32, #tpu.memory_space<hbm>> -> memref<64x128xf32, #tpu.memory_space<hbm>>
    %dma_wait3A_73 = arith.constant 0 : i32
    %dma_wait3A_74 = tpu.memref_slice %arg4[%div3A_60, %dma_wait3A_73, %mul3A_64] : memref<200x64x1024xf32, #tpu.memory_space<hbm>> -> memref<1x64x128xf32, #tpu.memory_space<hbm>>
    %dma_wait3A_75 = tpu.memref_squeeze %dma_wait3A_74 : memref<1x64x128xf32, #tpu.memory_space<hbm>> -> memref<64x128xf32, #tpu.memory_space<hbm>>
    %dma_wait3A_76 = arith.constant 0 : i32
    %dma_wait3A_77 = arith.constant 0 : i32
    %dma_wait3A_78 = tpu.memref_slice %arg8[%dma_wait3A_65, %dma_wait3A_76, %dma_wait3A_77] : memref<3x64x128xf32, #tpu.memory_space<vmem>> -> memref<1x64x128xf32, #tpu.memory_space<vmem>>
    %dma_wait3A_79 = tpu.memref_squeeze %dma_wait3A_78 : memref<1x64x128xf32, #tpu.memory_space<vmem>> -> memref<64x128xf32, #tpu.memory_space<vmem>>
    tpu.wait_dma2 semaphore(%arg12 : memref<!tpu.dma_semaphore, #tpu.memory_space<semaphore_mem>>) src(%dma_wait3A_79 : memref<64x128xf32, #tpu.memory_space<vmem>>) dst(%dma_wait3A_75 : memref<64x128xf32, #tpu.memory_space<hbm>>)
    %add3A_80 = arith.constant 49 : i32
    %add3A_81 = arith.addi %mul3A_2, %add3A_80 : i32
    %div3A_82 = arith.constant 8 : i32
    %div3A_83 = arith.divsi %add3A_81, %div3A_82 : i32
    %rem3A_84 = arith.constant 8 : i32
    %rem3A_85 = arith.remsi %add3A_81, %rem3A_84 : i32
    %mul3A_86 = arith.constant 128 : i32
    %mul3A_87 = arith.muli %rem3A_85, %mul3A_86 : i32
    %dma_wait3A_88 = arith.constant 1 : i32
    %dma_wait3A_89 = arith.constant 0 : i32
    %dma_wait3A_90 = arith.constant 0 : i32
    %dma_wait3A_91 = tpu.memref_slice %arg8[%dma_wait3A_88, %dma_wait3A_89, %dma_wait3A_90] : memref<3x64x128xf32, #tpu.memory_space<vmem>> -> memref<1x64x128xf32, #tpu.memory_space<vmem>>
    %dma_wait3A_92 = tpu.memref_squeeze %dma_wait3A_91 : memref<1x64x128xf32, #tpu.memory_space<vmem>> -> memref<64x128xf32, #tpu.memory_space<vmem>>
    %dma_wait3A_93 = arith.constant 0 : i32
    %dma_wait3A_94 = tpu.memref_slice %arg4[%div3A_83, %dma_wait3A_93, %mul3A_87] : memref<200x64x1024xf32, #tpu.memory_space<hbm>> -> memref<1x64x128xf32, #tpu.memory_space<hbm>>
    %dma_wait3A_95 = tpu.memref_squeeze %dma_wait3A_94 : memref<1x64x128xf32, #tpu.memory_space<hbm>> -> memref<64x128xf32, #tpu.memory_space<hbm>>
    %dma_wait3A_96 = arith.constant 0 : i32
    %dma_wait3A_97 = tpu.memref_slice %arg4[%div3A_83, %dma_wait3A_96, %mul3A_87] : memref<200x64x1024xf32, #tpu.memory_space<hbm>> -> memref<1x64x128xf32, #tpu.memory_space<hbm>>
    %dma_wait3A_98 = tpu.memref_squeeze %dma_wait3A_97 : memref<1x64x128xf32, #tpu.memory_space<hbm>> -> memref<64x128xf32, #tpu.memory_space<hbm>>
    %dma_wait3A_99 = arith.constant 0 : i32
    %dma_wait3A_100 = arith.constant 0 : i32
    %dma_wait3A_101 = tpu.memref_slice %arg8[%dma_wait3A_88, %dma_wait3A_99, %dma_wait3A_100] : memref<3x64x128xf32, #tpu.memory_space<vmem>> -> memref<1x64x128xf32, #tpu.memory_space<vmem>>
    %dma_wait3A_102 = tpu.memref_squeeze %dma_wait3A_101 : memref<1x64x128xf32, #tpu.memory_space<vmem>> -> memref<64x128xf32, #tpu.memory_space<vmem>>
    tpu.wait_dma2 semaphore(%arg13 : memref<!tpu.dma_semaphore, #tpu.memory_space<semaphore_mem>>) src(%dma_wait3A_102 : memref<64x128xf32, #tpu.memory_space<vmem>>) dst(%dma_wait3A_98 : memref<64x128xf32, #tpu.memory_space<hbm>>)
    return
  }
}

module attributes {stable_mosaic.version = 14 : i64} {
  func.func @_mask_body(%arg0: memref<1024x200xi32, #tpu.memory_space<vmem>>, %arg1: memref<1024x200xf32, #tpu.memory_space<vmem>>) attributes {dimension_semantics = [], scalar_prefetch = 0 : i64, scratch_operands = 0 : i64, tpu.core_type = #tpu.core_type<tc>} {
    %get3A = arith.constant 0 : index
    %get3A_0 = arith.constant 0 : index
    %get3A_1 = vector.load %arg0[%get3A, %get3A_0] : memref<1024x200xi32, #tpu.memory_space<vmem>>, vector<1024x200xi32>
    %ne3A = arith.constant 0 : i32
    %ne3A_2 = vector.broadcast %ne3A : i32 to vector<1024x200xi32>
    %ne3A_3 = arith.cmpi ne, %get3A_1, %ne3A_2 : vector<1024x200xi32>
    %convert_element_type3A = arith.extui %ne3A_3 : vector<1024x200xi1> to vector<1024x200xi32>
    %convert_element_type3A_4 = arith.sitofp %convert_element_type3A : vector<1024x200xi32> to vector<1024x200xf32>
    %swap3A = arith.constant 0 : index
    %swap3A_5 = arith.constant 0 : index
    %swap3A_6 = vector.load %arg1[%swap3A, %swap3A_5] : memref<1024x200xf32, #tpu.memory_space<vmem>>, vector<1024x200xf32>
    tpu.vector_store %arg1[%swap3A, %swap3A_5], %convert_element_type3A_4 {strides = array<i32>} : memref<1024x200xf32, #tpu.memory_space<vmem>>, vector<1024x200xf32>,
    return
  }
}

</mosaic_0001>

<sc_bundles>
// kernel: kernel.5.cloned.1.call-start
scs
__scs_entry_jumppad:
0x0: {  	(pc) =	sbr.rel $0x88, $3  }
0x1: {  	(tag) =	ssettag $0x0;
	lr =	simm.s32 $0x1  }
0x2: {  	[smem:$0x3F9F] =	sst lr;
	_ =	strace $0xD0000000  }
0x3: {  	_ = 	snop  }
0x4: {  	_ = 	snop  }
0x5: {  	_ = 	snop  }
0x6: {  	_ = 	snop  }
0x7: {  	_ = 	snop  }
__scs_overlays_trampoline_lowered:
0x8: {  	[smem:$0x3FAE] =	sst s0  }
0x9: {  	[smem:$0x3FAF] =	sst s1  }
0xa: {  	[smem:$0x3FB0] =	sst s2  }
0xb: {  	[smem:$0x3FB1] =	sst s3  }
0xc: {  	[smem:$0x3FB2] =	sst s4  }
0xd: {  	[smem:$0x3FB3] =	sst s5  }
0xe: {  	[smem:$0x3FB4] =	sst s6  }
0xf: {  	[smem:$0x3FB5] =	sst s7  }
0x10: {  	[smem:$0x3FB6] =	sst s8  }
0x11: {  	[smem:$0x3FB7] =	sst s9;
	s0 =	simm.s32 @!p0 $0x0  }
0x12: {  	s1 =	sld [smem:$0x3F9D];
	s0 =	simm.s32 @p0 $0x1  }
0x13: {  	[smem:$0x3FB8] =	sst s0;
	s0 =	simm.s32 @!p1 $0x0  }
0x14: {  	s2 =	sld [smem:$0x3F9C];
	s0 =	simm.s32 @p1 $0x1  }
0x15: {  	[smem:$0x3FB9] =	sst s0;
	s0 =	simm.s32 @!p2 $0x0  }
0x16: {  	s3 =	sld [smem:$0x3FDB];
	s0 =	simm.s32 @p2 $0x1  }
0x17: {  	s4 =	simm.s32 $0x1BF5;
	[smem:$0x3FBB] =	sst s0  }
0x18: {  	s0 =	sld [smem:$0x3F9E];
	_ =	swait.ge [sflag:s4], $0x0  }
0x19: {  	s7 =	sld [smem:$0x3F9F]  }
0x1a: {  	s8 =	sadd.s32 $0xFFFFE003, lr  }
0x1b: {  	s9 =	sadd.s32 $0xFFFFFEF7, lr;
	s5 =	simm.s32 $0xFFFFFFFF;
	p2 =	slt.u32 s8, $0xFFFFF086  }
0x1c: {  	p1 =	slt.u32 s9, $0xF7A;
	s5 =	simm.s32 @!p2 $0x0  }
0x1d: {  	s5 =	simm.s32 @p1 $0x1;
	p0 =	seq.s32 s7, s2  }
0x1e: {  	s7 =	smul.u32 @!p0 $0xF7A, s2;
	p2 =	seq.s32 @!p0 s5, $0x0  }
0x1f: {  	s9 =	smul.u32 $0xF7A, s1;
	s8 =	simm.s32 @!p0 $0x1BF5;
	p2 =	por !p2, p0  }
0x20: {  	[sflag:s8] =	ssyncset.s32 @!p0 $0xFFFFF086;
	s6 =	sadd.s32 @!p0 s3, s7;
	s7 =	simm.s32 @!p0 $0x108  }
0x21: {  	s3 =	sadd.s32 s3, s9;
	s6 =	sadd.s32 @!p0 $0x88, s6;
	s7 =	simm.s32 @p2 $0x1082  }
0x22: {  	[simem:s7], [sflag:s8] =	dma.local @!p0 [hbm:s6], $0xF7A  }
0x23: {  	s9 =	sor.u32 $0xD0000000, s2;
	s6 =	simm.s32 $0x108;
	_ =	swait.ge @!p0 [sflag:s8], $0x0  }
0x24: {  	s3 =	sadd.s32 $0x88, s3;
	s6 =	simm.s32 @!p1 $0x1082;
	[sflag:s4] =	ssyncset.s32 $0xFFFFF086  }
0x25: {  	[simem:s6], [sflag:s4] =	dma.local [hbm:s3], $0xF7A  }
0x26: {  	[smem:$0x3F9F] =	sst s1;
	(tag) =	ssettag s2;
	_ =	strace s9  }
0x27: {  	s1 =	sld [smem:$0x3FAF]  }
0x28: {  	s2 =	sld [smem:$0x3FB0]  }
0x29: {  	s4 =	sld [smem:$0x3FB2]  }
0x2a: {  	p0 =	seq.s32 s5, $0x0;
	s5 =	sld [smem:$0x3FB3]  }
0x2b: {  	s6 =	sld [smem:$0x3FB4]  }
0x2c: {  	s7 =	sld [smem:$0x3FB5]  }
0x2d: {  	s3 =	simm.s32 $0x108;
	s8 =	sld [smem:$0x3FB6]  }
0x2e: {  	s3 =	simm.s32 @!p0 $0x1082;
	s9 =	sld [smem:$0x3FB7]  }
0x2f: {  	lr =	sadd.s32 s0, s3;
	s0 =	sld [smem:$0x3FAE]  }
0x30: {  	s3 =	sld [smem:$0x3FB1]  }
0x31: {  	[smem:$0x3FBA] =	sst s10  }
0x32: {  	s10 =	sld [smem:$0x3FB8];
	_ =	sdelay $0x3  }
0x33: {  	p0 =	seq.s32 s10, $0x1;
	s10 =	sld [smem:$0x3FBA];
	_ =	sdelay $0x3  }
0x34: {  	[smem:$0x3FBA] =	sst s10  }
0x35: {  	s10 =	sld [smem:$0x3FB9];
	_ =	sdelay $0x3  }
0x36: {  	p1 =	seq.s32 s10, $0x1;
	s10 =	sld [smem:$0x3FBA];
	_ =	sdelay $0x3  }
0x37: {  	[smem:$0x3FBA] =	sst s10  }
0x38: {  	s10 =	sld [smem:$0x3FBB]  }
0x39: {  	_ = 	snop;
	(pc) =	sbr.ind lr, $3  }
0x3a: {  	_ = 	snop  }
0x3b: {  	_ = 	snop  }
0x3c: {  	p2 =	seq.s32 s10, $0x1;
	s10 =	sld [smem:$0x3FBA]  }
0x3d: {  	_ =	shalt  }
0x3e: {  	_ =	shalt  }
0x3f: {  	_ =	shalt  }
0x40: {  	_ =	shalt  }
0x41: {  	_ =	shalt  }
0x42: {  	_ =	shalt  }
0x43: {  	_ =	shalt  }
0x44: {  	_ =	shalt  }
0x45: {  	_ =	shalt  }
0x46: {  	_ =	shalt  }
0x47: {  	_ =	shalt  }
0x48: {  	_ =	shalt  }
0x49: {  	_ =	shalt  }
0x4a: {  	_ =	shalt  }
0x4b: {  	_ =	shalt  }
0x4c: {  	_ =	shalt  }
0x4d: {  	_ =	shalt  }
0x4e: {  	_ =	shalt  }
0x4f: {  	_ =	shalt  }
0x50: {  	_ =	shalt  }
0x51: {  	_ =	shalt  }
0x52: {  	_ =	shalt  }
0x53: {  	_ =	shalt  }
0x54: {  	_ =	shalt  }
0x55: {  	_ =	shalt  }
0x56: {  	_ =	shalt  }
0x57: {  	_ =	shalt  }
0x58: {  	_ =	shalt  }
0x59: {  	_ =	shalt  }
0x5a: {  	_ =	shalt  }
0x5b: {  	_ =	shalt  }
0x5c: {  	_ =	shalt  }
0x5d: {  	_ =	shalt  }
0x5e: {  	_ =	shalt  }
0x5f: {  	_ =	shalt  }
0x60: {  	_ =	shalt  }
0x61: {  	_ =	shalt  }
0x62: {  	_ =	shalt  }
0x63: {  	_ =	shalt  }
0x64: {  	_ =	shalt  }
0x65: {  	_ =	shalt  }
0x66: {  	_ =	shalt  }
0x67: {  	_ =	shalt  }
0x68: {  	_ =	shalt  }
0x69: {  	_ =	shalt  }
0x6a: {  	_ =	shalt  }
0x6b: {  	_ =	shalt  }
0x6c: {  	_ =	shalt  }
0x6d: {  	_ =	shalt  }
0x6e: {  	_ =	shalt  }
0x6f: {  	_ =	shalt  }
0x70: {  	_ =	shalt  }
0x71: {  	_ =	shalt  }
0x72: {  	_ =	shalt  }
0x73: {  	_ =	shalt  }
0x74: {  	_ =	shalt  }
0x75: {  	_ =	shalt  }
0x76: {  	_ =	shalt  }
0x77: {  	_ =	shalt  }
0x78: {  	_ =	shalt  }
0x79: {  	_ =	shalt  }
0x7a: {  	_ =	shalt  }
0x7b: {  	_ =	shalt  }
0x7c: {  	_ =	shalt  }
0x7d: {  	_ =	shalt  }
0x7e: {  	_ =	shalt  }
0x7f: {  	_ =	shalt  }
0x80: {  	_ =	shalt  }
0x81: {  	_ =	shalt  }
0x82: {  	_ =	shalt  }
0x83: {  	_ =	shalt  }
0x84: {  	_ =	shalt  }
0x85: {  	_ =	shalt  }
0x86: {  	_ =	shalt  }
0x87: {  	_ =	shalt  }
.Lfunc_end0:
.L_simem_size_0:
called_computation_lowered:
.L_overlay_start_0:
0x88: {  	s2 =	sld [smem:$0x3FD9]  }
0x89: {  	s3 =	sld [smem:$0x3FFE];
	_ =	sdelay $0x1  }
0x8a: {  	s1 =	srdreg.scid  }
0x8b: {  	s0 =	sand.u32 $0x1, s1  }
0x8c: {  	s17 =	sshll.u32 s0, $0xA;
	s2 =	sadd.s32 s3, s2  }
0x8d: {  	s2 =	sadd.s32 s2, s17  }
0x8e: {  	[smem:$0x3FC6] =	sst s2  }
0x8f: {  	_ = 	snop  }
0x90: {  	s2 =	sld [smem:$0x3FC8];
	(tm) =	ssettm $0x1  }
0x91: {  	s18 =	sld [smem:$0x3FFB];
	_ =	sdelay $0x3  }
0x92: {  	_ =	strace s18  }
0x93: {  	s3 =	sld [smem:$0x3FFC];
	_ =	sdelay $0x3  }
0x94: {  	_ =	strace s3  }
0x95: {  	s3 =	sld [smem:$0x3FFD];
	_ =	sdelay $0x3  }
0x96: {  	_ =	strace s3  }
0x97: {  	_ =	strace $0x8FFFFFFF  }
0x98: {  	s19 =	sld [smem:$0x3FDB];
	_ =	sdelay $0x1  }
0x99: {  	s4 =	simm.s32 $_scs_section_size  }
0x9a: {  	s5 =	simm.s32 $_size__tile_overlayer_lowered;
	s6 =	simm.s32 $_tile_overlayer_lowered  }
0x9b: {  	s22 =	simm.s32 $0x1BFF;
	s21 =	sshll.u32 s6, $0x1;
	s3 =	sadd.s32 s4, s19  }
0x9c: {  	s7 =	simm.s32 $0x0;
	s20 =	sshll.u32 s5, $0x1;
	s5 =	sadd.s32 s21, s3  }
0x9d: {  	[timem:s7], [sflag:s22] =	dma.local [hbm:s5], s20  }
0x9e: {  	_ =	swait.ge [sflag:s22], s20  }
0x9f: {  	s4 =	ssub.s32 $0x0, s20;
	[sflag:s22] =	ssyncset.done $0x0  }
0xa0: {  	[sflag:s22] =	ssyncadd.s32 s4;
	_ =	sdelay $0x1  }
0xa1: {  	s23 =	simm.s32 $0x1B8B  }
0xa2: {  	_ =	swait.ge [sflag:s23], $0x1  }
0xa3: {  	[sflag:s23] =	ssyncset.done $0x0  }
0xa4: {  	s25 =	simm.s32 $0x1B8E;
	s24 =	sld [smem:$0x3FFE];
	[sflag:s23] =	ssyncadd.s32 $0xFFFFFFFF  }
0xa5: {  	s26 =	simm.s32 $execute0_lowered;
	[smem:$0x3FD2] =	sst s25  }
0xa6: {  	s5 =	sshll.u32 s26, $0x1;
	_ =	strace $0x80000046;
	[dreg:$0x1] =	wrdreg $0xFFFFFFFF  }
0xa7: {  	s28 =	simm.s32 $_size_execute0_lowered;
	s3 =	sadd.s32 s3, s5;
	[dreg:$0x0] =	wrdreg $0x0  }
0xa8: {  	s5 =	sshll.u32 s28, $0x1;
	[dreg:$0x2] =	wrdreg s3  }
0xa9: {  	[dreg:$0x3] =	wrdreg s5  }
0xaa: {  	[dreg:$0x4] =	wrdreg $0xC0  }
0xab: {  	_ =	task [dreg:s7], $0x5FFFF  }
0xac: {  	[dreg:$0x1] =	wrdreg $0xFFFFFFFF  }
0xad: {  	[dreg:$0x0] =	wrdreg $0x60  }
0xae: {  	[dreg:$0x2] =	wrdreg s2  }
0xaf: {  	[dreg:$0x3] =	wrdreg s24  }
0xb0: {  	[dreg:$0x4] =	wrdreg $0x9  }
0xb1: {  	_ =	task.clear_ibuf [dreg:s7], $0x5FFFF;
	_ =	strace $0x90000046  }
0xb2: {  	s29 =	simm.s32 $0x9;
	_ =	strace $0x80000048  }
0xb3: {  	_ =	swait.ge [sflag:s29], $0x1  }
0xb4: {  	[sflag:s29] =	ssyncadd.s32 $0xFFFFFFFF  }
0xb5: {  	_ =	strace $0x90000048  }
0xb6: {  	_ =	sfence  }
0xb7: {  	s30 =	sld [smem:$0x0];
	_ =	sdelay $0x2  }
0xb8: {  	s31 =	sshll.u32 s1, $0xD;
	s1 =	sshrl.u32 s1, $0x2  }
0xb9: {  	s3 =	sand.u32 $0x4000, s31;
	s1 =	sadd.s32 s1, s30  }
0xba: {  	s0 =	sor.u32 s3, s0;
	s1 =	sshll.u32 s1, $0x11  }
0xbb: {  	s0 =	sor.u32 s1, s0  }
0xbc: {  	s0 =	sadd.s32 $0x8F2B, s0  }
0xbd: {  	[sflag:s0] =	ssyncadd.remote.s32 $0x1  }
0xbe: {  	_ =	sfence.sel $0xFFFF  }
0xbf: {  	[dreg:$0x0] =	wrdreg $0xFFFFFFFF;
	(pc) =	sbr.abs _section_cstart, $3  }
0xc0: {  	[dreg:$0x1] =	wrdreg $0xFFFFFFFF  }
0xc1: {  	_ =	task.clear_ibuf [dreg:s7], $0x2FFFF;
	_ =	strace $0x9FFFFFFF  }
0xc2: {  	(tm) =	ssettm $0x7FFFFFFF  }
0xc3: {  	_ =	shalt  }
tec
execute0_lowered:
.L_overlay_start_1:
0x0: {  	(tag) =	ssettag $0x1  }
0x1: {  	s0 =	rddreg [dreg:$0x0]  }
0x2: {  	s1 =	srdreg.scid;
	s15 =	stileid.u32  }
0x3: {  	s6 =	rddreg [dreg:$0x1];
	s2 =	simm.s32 $0x0;
	s17 =	simm.s32 $0x7A1400  }
0x4: {  	s18 =	simm.s32 $0x6000;
	s20 =	simm.s32 $0x2;
	s22 =	simm.s32 $0x3  }
0x5: {  	s1 =	sand.u32 $0x1, s1;
	s3 =	sshll.u32 s15, $0x1;
	s13 =	smul.u32 $0x7B000, s15  }
0x6: {  	[smem:$0x7FF] =	sst s2;
	s12 =	sadd.s32 $0xC00, s6;
	s29 =	smul.u32 $0xA4, s15  }
0x7: {  	s26 =	sadd.s32 $0xF4200, s0;
	s6 =	sadd.s32 $0x7A1C00, s6;
	s14 =	smul.u32 $0x3D800, s1  }
0x8: {  	s19 =	sor.u32 s1, s3;
	s23 =	ssub.s32 $0x2, s1;
	s1 =	smul.u32 $0x52, s1  }
0x9: {  	_ =	strace $0x80000047;
	[dreg:$0x5] =	wrdreg s26;
	s9 =	smul.u32 $0x3D800, s19  }
0xa: {  	s4 =	smul.u32 $0x7B00, s19;
	s5 =	sshrl.u32 s23, $0x1;
	p0 =	sne.s32 s19, $0x1F  }
0xb: {  	s8 =	ssub.s32 s23, s5;
	s13 =	sadd.s32 s14, s13;
	s1 =	sadd.s32 s1, s29  }
0xc: {  	s23 =	simm.s32 $0x4;
	s11 =	sadd.s32 $0xC00, s9;
	s24 =	sadd.s32 s0, s4  }
0xd: {  	s28 =	sshrl.u32 s9, $0x3;
	s9 =	sadd.s32 s12, s9;
	s30 =	sadd.s32 $0x3C00, s13  }
0xe: {  	s16 =	sadd.s32 $0x3000, s13;
	s14 =	sadd.s32 $0x3, s1;
	s7 =	sshrl.u32 s11, $0x3  }
0xf: {  	[dreg:$0x3] =	wrdreg s24;
	s10 =	sadd.s32 s0, s28;
	s11 =	sadd.s32 s12, s11  }
0x10: {  	s12 =	sadd.s32 s12, s13;
	s15 =	sshrl.u32 s30, $0x3;
	s31 =	sshrl.u32 s16, $0x3  }
0x11: {  	s16 =	simm.s32 $0xC00;
	s24 =	simm.s32 $0x0;
	s25 =	sadd.s32 s0, s7  }
0x12: {  	s7 =	smax.u32 s8, $0x1;
	s8 =	sadd.s32 $0x300, s10;
	s10 =	sadd.s32 $0x480, s10  }
0x13: {  	s13 =	sadd.s32 s15, s0;
	s15 =	sadd.s32 s31, s0;
	[dreg:$0x4] =	wrdreg s25  }
.LBB2_1:
0x14: {  	s0 =	rddreg [dreg:$0x3]  }
0x15: {  	[tilespmem:s2], [sflag:$0x1] =	stream.strided.gather [hbm4b:s0+s16], $0x6000, s17, s16, $0x38;
	[tilespmem:$0x1A000] =	vst v63  }
0x16: {  	s25 =	rddreg [dreg:$0x4]  }
0x17: {  	[tilespmem:s18], [sflag:$0x2] =	stream.strided.gather [hbm4b:s25+s16], $0x6000, s17, s16, $0x38;
	[tilespmem:$0x1A000] =	vst v63  }
0x18: {  	s25 =	simm.s32 $0x1  }
0x19: {  	_ =	swait.ge [sflag:s25], $0x6000  }
0x1a: {  	[sflag:s25] =	ssyncset.done $0x0  }
0x1b: {  	[sflag:s25] =	ssyncadd.s32 $0xFFFFA000  }
0x1c: {  	[tilespmem:s2], [sflag:$0x1] =	stream.strided.gather [hbm4b:s8+s16], $0x6000, s17, s16, $0x38;
	[tilespmem:$0x1A000] =	vst v63  }
0x1d: {  	s26 =	simm.s32 $0xC000  }
0x1e: {  	[hbm4b:s9+s2] =	stream.linear.scatter [tilespmem:s26], [sflag:$0x3], $0x6000, $0x38;
	[tilespmem:$0x1A000] =	vst v63  }
0x1f: {  	s0 =	sadd.s32 $0xFFFFFFFF, s14;
	_ =	swait.ge [sflag:s20], $0x6000  }
0x20: {  	p2 =	sgt.u32 s0, $0xA2B;
	[sflag:s20] =	ssyncset.done $0x0  }
0x21: {  	p1 =	por @!p2 $0x0, $0x0;
	[sflag:s20] =	ssyncadd.s32 $0xFFFFA000  }
0x22: {  	[tilespmem:s18], [sflag:$0x2] =	stream.strided.gather [hbm4b:s10+s16], $0x6000, s17, s16, $0x38;
	[tilespmem:$0x1A000] =	vst v63  }
0x23: {  	s31 =	simm.s32 $0x12000;
	s1 =	simm.s32 @!p2 $0x1;
	p3 =	por p1, p2  }
0x24: {  	[hbm4b:s11+s2] =	stream.linear.scatter [tilespmem:s31], [sflag:$0x4], $0x6000, $0x38;
	[tilespmem:$0x1A000] =	vst v63  }
0x25: {  	p3 =	sgt.u32 @!p3 s0, $0xA29;
	_ =	swait.ge @!p2 [sflag:s1], $0x6000  }
0x26: {  	p1 =	por @!p2 p3, p1;
	[sflag:s1] =	ssyncset.done @!p2 $0x0  }
0x27: {  	s0 =	simm.s32 @!p2 $0x3;
	p1 =	por p1, p2;
	[sflag:s1] =	ssyncadd.s32 @!p2 $0xFFFFA000  }
0x28: {  	s19 =	simm.s32 @!p1 $0x7A1400;
	_ =	swait.ge @!p2 [sflag:s0], $0x6000  }
0x29: {  	s26 =	simm.s32 @!p1 $0x0;
	s1 =	sadd.s32 @!p2 $0x0, s12;
	[sflag:s0] =	ssyncset.done @!p2 $0x0  }
0x2a: {  	s1 =	sadd.s32 @!p2 $0x1800, s1;
	[sflag:s0] =	ssyncadd.s32 @!p2 $0xFFFFA000;
	s0 =	simm.s32 @!p1 $0xC00  }
0x2b: {  	[tilespmem:s26], [sflag:$0x1] =	stream.strided.gather @!p1 [hbm4b:s15+s0], $0x6000, s19, s0, $0x38;
	[tilespmem:$0x1A000] =	vst v63  }
0x2c: {  	s0 =	simm.s32 @!p2 $0x0;
	s19 =	simm.s32 @!p2 $0xC000;
	p1 =	sgt.u32 s14, $0xA2B  }
0x2d: {  	[hbm4b:s1+s0] =	stream.linear.scatter @!p2 [tilespmem:s19], [sflag:$0x3], $0x6000, $0x38;
	[tilespmem:$0x1A000] =	vst v63  }
0x2e: {  	s0 =	simm.s32 @!p1 $0x2;
	p2 =	por @!p1 $0x0, $0x0  }
0x2f: {  	_ =	swait.ge @!p1 [sflag:s0], $0x6000;
	p3 =	por p2, p1  }
0x30: {  	[sflag:s0] =	ssyncset.done @!p1 $0x0;
	p3 =	sgt.u32 @!p3 s14, $0xA29  }
0x31: {  	s1 =	simm.s32 @!p1 $0x4;
	[sflag:s0] =	ssyncadd.s32 @!p1 $0xFFFFA000;
	p2 =	por @!p1 p3, p2  }
0x32: {  	s28 =	sadd.s32 $0x300, s15;
	_ =	swait.ge @!p1 [sflag:s1], $0x6000;
	p2 =	por p2, p1  }
0x33: {  	s29 =	sadd.s32 $0x300, s13;
	[sflag:s1] =	ssyncset.done @!p1 $0x0;
	s0 =	simm.s32 @!p2 $0xC00  }
0x34: {  	s19 =	simm.s32 @!p2 $0x6000;
	[sflag:s1] =	ssyncadd.s32 @!p1 $0xFFFFA000;
	s1 =	simm.s32 @!p2 $0x7A1400  }
0x35: {  	[tilespmem:s19], [sflag:$0x2] =	stream.strided.gather @!p2 [hbm4b:s13+s0], $0x6000, s1, s0, $0x38;
	[tilespmem:$0x1A000] =	vst v63  }
0x36: {  	s30 =	sadd.s32 $0x2, s14;
	s26 =	simm.s32 $0x1800;
	s0 =	sadd.s32 @!p1 $0x0, s12  }
0x37: {  	s19 =	simm.s32 @!p1 $0x0;
	s1 =	sadd.s32 @!p1 $0x2400, s0;
	s0 =	simm.s32 @!p1 $0x12000  }
.LBB2_2:
0x38: {  	s21 =	sadd.s32 $0xFFFFFFFF, s30;
	s25 =	sadd.s32 $0x1, s25;
	s3 =	smov.u32 s26  }
0x39: {  	s26 =	sadd.s32 $0x1800, s26;
	s4 =	smov.u32 s28;
	s31 =	smov.u32 s29  }
0x3a: {  	[hbm4b:s1+s19] =	stream.linear.scatter @!p1 [tilespmem:s0], [sflag:$0x4], $0x6000, $0x38;
	[tilespmem:$0x1A000] =	vst v63  }
0x3b: {  	p3 =	sgt.u32 s21, $0xA2B;
	p2 =	sne.s32 s26, $0x3C000;
	s0 =	smov.u32 s30  }
0x3c: {  	s1 =	simm.s32 @!p3 $0x1;
	p1 =	sgt.u32 @!p3 s25, $0x27;
	s19 =	sadd.s32 @!p3 s3, s12  }
0x3d: {  	p4 =	por p1, p3;
	s19 =	sadd.s32 @!p3 $0x1800, s19;
	_ =	swait.ge @!p3 [sflag:s1], $0x6000  }
0x3e: {  	s28 =	sadd.s32 $0x300, s28;
	p4 =	sgt.u32 @!p4 s21, $0xA29;
	[sflag:s1] =	ssyncset.done @!p3 $0x0  }
0x3f: {  	p1 =	por @!p3 p4, p1;
	[sflag:s1] =	ssyncadd.s32 @!p3 $0xFFFFA000;
	s1 =	simm.s32 @!p3 $0x3  }
0x40: {  	s29 =	sadd.s32 $0x300, s29;
	p1 =	por p1, p3;
	_ =	swait.ge @!p3 [sflag:s1], $0x6000  }
0x41: {  	s21 =	simm.s32 @!p1 $0x7A1400;
	s5 =	simm.s32 @!p1 $0x0;
	[sflag:s1] =	ssyncset.done @!p3 $0x0  }
0x42: {  	s30 =	sadd.s32 $0x2, s30;
	[sflag:s1] =	ssyncadd.s32 @!p3 $0xFFFFA000;
	s1 =	simm.s32 @!p1 $0xC00  }
0x43: {  	[tilespmem:s5], [sflag:$0x1] =	stream.strided.gather @!p1 [hbm4b:s4+s1], $0x6000, s21, s1, $0x38;
	[tilespmem:$0x1A000] =	vst v63  }
0x44: {  	s1 =	simm.s32 @!p3 $0x0;
	s4 =	simm.s32 @!p3 $0xC000;
	p1 =	sgt.u32 s0, $0xA2B  }
0x45: {  	[hbm4b:s19+s1] =	stream.linear.scatter @!p3 [tilespmem:s4], [sflag:$0x3], $0x6000, $0x38;
	[tilespmem:$0x1A000] =	vst v63  }
0x46: {  	s4 =	simm.s32 @!p1 $0x2;
	p3 =	sgt.u32 @!p1 s25, $0x27;
	s1 =	sadd.s32 @!p1 s3, s12  }
0x47: {  	p4 =	por p3, p1;
	s1 =	sadd.s32 @!p1 $0x2400, s1;
	_ =	swait.ge @!p1 [sflag:s4], $0x6000  }
0x48: {  	s3 =	simm.s32 @!p1 $0x4;
	p4 =	sgt.u32 @!p4 s0, $0xA29;
	[sflag:s4] =	ssyncset.done @!p1 $0x0  }
.Ltmp0:
0x49: {  	p3 =	por @!p1 p4, p3;
	[sflag:s4] =	ssyncadd.s32 @!p1 $0xFFFFA000;
	(pc) =	sbr.rel @p2 .LBB2_2-.Ltmp0, $4  }
0x4a: {  	s0 =	simm.s32 @!p1 $0x12000;
	p3 =	por p3, p1;
	_ =	swait.ge @!p1 [sflag:s3], $0x6000  }
0x4b: {  	s4 =	simm.s32 @!p3 $0xC00;
	s5 =	simm.s32 @!p3 $0x6000;
	[sflag:s3] =	ssyncset.done @!p1 $0x0  }
0x4c: {  	s19 =	simm.s32 @!p1 $0x0;
	[sflag:s3] =	ssyncadd.s32 @!p1 $0xFFFFA000;
	s3 =	simm.s32 @!p3 $0x7A1400  }
0x4d: {  	[tilespmem:s5], [sflag:$0x2] =	stream.strided.gather @!p3 [hbm4b:s31+s4], $0x6000, s3, s4, $0x38;
	[tilespmem:$0x1A000] =	vst v63  }
0x4e: {  	[hbm4b:s1+s19] =	stream.linear.scatter @!p1 [tilespmem:s0], [sflag:$0x4], $0x6000, $0x38;
	[tilespmem:$0x1A000] =	vst v63  }
0x4f: {  	_ =	swait.ge [sflag:s22], $0x6000  }
0x50: {  	[sflag:s22] =	ssyncset.done $0x0  }
0x51: {  	[sflag:s22] =	ssyncadd.s32 $0xFFFFA000  }
0x52: {  	_ =	swait.ge [sflag:s23], $0x6000  }
0x53: {  	s0 =	simm.s32 @!p0 $0x400;
	s1 =	simm.s32 @!p0 $0x7A1400;
	[sflag:s23] =	ssyncset.done $0x0  }
0x54: {  	s3 =	simm.s32 @!p0 $0x18000;
	s4 =	rddreg [dreg:$0x5];
	[sflag:s23] =	ssyncadd.s32 $0xFFFFA000  }
0x55: {  	[tilespmem:s3], [sflag:$0x5] =	stream.strided.gather @!p0 [hbm4b:s4+s0], $0x2000, s1, s0, $0x38;
	[tilespmem:$0x1A000] =	vst v63  }
0x56: {  	s0 =	simm.s32 @!p0 $0x5  }
0x57: {  	s24 =	sadd.s32 $0x1, s24;
	_ =	swait.ge @!p0 [sflag:s0], $0x2000  }
0x58: {  	p1 =	sne.s32 s24, s7;
	s1 =	simm.s32 @!p0 $0x0;
	[sflag:s0] =	ssyncset.done @!p0 $0x0  }
.Ltmp1:
0x59: {  	s3 =	simm.s32 @!p0 $0xC000;
	[sflag:s0] =	ssyncadd.s32 @!p0 $0xFFFFE000;
	(pc) =	sbr.rel @p1 .LBB2_1-.Ltmp1, $4  }
0x5a: {  	[hbm4b:s6+s1] =	stream.linear.scatter @!p0 [tilespmem:s3], [sflag:$0x5], $0x1000, $0x38;
	[tilespmem:$0x1A000] =	vst v63  }
0x5b: {  	_ =	swait.ge @!p0 [sflag:s0], $0x1000  }
0x5c: {  	[sflag:s0] =	ssyncset.done @!p0 $0x0  }
0x5d: {  	[sflag:s0] =	ssyncadd.s32 @!p0 $0xFFFFF000  }
0x5e: {  	_ =	sfence.sel $0x180000  }
0x5f: {  	[bflag:$0x0] =	sbarrier.arrive $0xFFFF  }
0x60: {  	_ =	strace $0x90000047  }
0x61: {  	s0 =	stileid.u32;
	[bflag:$0x2] =	sbarrier.arrive $0xFFFF  }
0x62: {  	p0 =	sne.s32 s0, $0x0;
	s0 =	rddreg [dreg:$0x2]  }
0x63: {  	s0 =	sadd.s32 @!p0 $0x100000, s0  }
0x64: {  	[sflag:s0] =	ssyncadd.tile.s32 @!p0 $0x1;
	_ =	shalt  }
.Lfunc_end2:
_tile_overlayer_lowered:
.L_overlay_start_2:
0x65: {  	(tag) =	ssettag $0x2  }
0x66: {  	s0 =	rddreg [dreg:$0x0];
	s2 =	stileid.u32  }
0x67: {  	s1 =	rddreg [dreg:$0x1];
	p0 =	sne.s32 s2, $0x0  }
0x68: {  	s3 =	rddreg [dreg:$0x2];
	[bflag:$0x3] =	sbarrier.arrive $0xFFFF;
	s2 =	simm.s32 @!p0 $0x1C05  }
0x69: {  	[timem:s3], [sflag:s2] =	dma.local @!p0 [hbm:s0], s1  }
0x6a: {  	s0 =	simm.s32 @!p0 $0x5  }
0x6b: {  	_ =	swait.ge @!p0 [sflag:s0], s1  }
0x6c: {  	s1 =	ssub.s32 @!p0 $0x0, s1;
	[sflag:s0] =	ssyncset.done @!p0 $0x0  }
0x6d: {  	[sflag:s0] =	ssyncadd.s32 @!p0 s1  }
0x6e: {  	[bflag:$0x3] =	sbarrier.arrive $0xFFFF  }
0x6f: {  	_ =	shalt  }

// kernel: kernel.8.cloned.1.call-start
scs
__scs_entry_jumppad:
0x0: {  	(pc) =	sbr.rel $0x88, $3  }
0x1: {  	(tag) =	ssettag $0x0;
	lr =	simm.s32 $0x1  }
0x2: {  	[smem:$0x3F9F] =	sst lr;
	_ =	strace $0xD0000000  }
0x3: {  	_ = 	snop  }
0x4: {  	_ = 	snop  }
0x5: {  	_ = 	snop  }
0x6: {  	_ = 	snop  }
0x7: {  	_ = 	snop  }
__scs_overlays_trampoline_lowered:
0x8: {  	[smem:$0x3FAE] =	sst s0  }
0x9: {  	[smem:$0x3FAF] =	sst s1  }
0xa: {  	[smem:$0x3FB0] =	sst s2  }
0xb: {  	[smem:$0x3FB1] =	sst s3  }
0xc: {  	[smem:$0x3FB2] =	sst s4  }
0xd: {  	[smem:$0x3FB3] =	sst s5  }
0xe: {  	[smem:$0x3FB4] =	sst s6  }
0xf: {  	[smem:$0x3FB5] =	sst s7  }
0x10: {  	[smem:$0x3FB6] =	sst s8  }
0x11: {  	[smem:$0x3FB7] =	sst s9;
	s0 =	simm.s32 @!p0 $0x0  }
0x12: {  	s1 =	sld [smem:$0x3F9D];
	s0 =	simm.s32 @p0 $0x1  }
0x13: {  	[smem:$0x3FB8] =	sst s0;
	s0 =	simm.s32 @!p1 $0x0  }
0x14: {  	s2 =	sld [smem:$0x3F9C];
	s0 =	simm.s32 @p1 $0x1  }
0x15: {  	[smem:$0x3FB9] =	sst s0;
	s0 =	simm.s32 @!p2 $0x0  }
0x16: {  	s3 =	sld [smem:$0x3FDB];
	s0 =	simm.s32 @p2 $0x1  }
0x17: {  	s4 =	simm.s32 $0x1BF5;
	[smem:$0x3FBB] =	sst s0  }
0x18: {  	s0 =	sld [smem:$0x3F9E];
	_ =	swait.ge [sflag:s4], $0x0  }
0x19: {  	s7 =	sld [smem:$0x3F9F]  }
0x1a: {  	s8 =	sadd.s32 $0xFFFFE003, lr  }
0x1b: {  	s9 =	sadd.s32 $0xFFFFFEF7, lr;
	s5 =	simm.s32 $0xFFFFFFFF;
	p2 =	slt.u32 s8, $0xFFFFF086  }
0x1c: {  	p1 =	slt.u32 s9, $0xF7A;
	s5 =	simm.s32 @!p2 $0x0  }
0x1d: {  	s5 =	simm.s32 @p1 $0x1;
	p0 =	seq.s32 s7, s2  }
0x1e: {  	s7 =	smul.u32 @!p0 $0xF7A, s2;
	p2 =	seq.s32 @!p0 s5, $0x0  }
0x1f: {  	s9 =	smul.u32 $0xF7A, s1;
	s8 =	simm.s32 @!p0 $0x1BF5;
	p2 =	por !p2, p0  }
0x20: {  	[sflag:s8] =	ssyncset.s32 @!p0 $0xFFFFF086;
	s6 =	sadd.s32 @!p0 s3, s7;
	s7 =	simm.s32 @!p0 $0x108  }
0x21: {  	s3 =	sadd.s32 s3, s9;
	s6 =	sadd.s32 @!p0 $0x88, s6;
	s7 =	simm.s32 @p2 $0x1082  }
0x22: {  	[simem:s7], [sflag:s8] =	dma.local @!p0 [hbm:s6], $0xF7A  }
0x23: {  	s9 =	sor.u32 $0xD0000000, s2;
	s6 =	simm.s32 $0x108;
	_ =	swait.ge @!p0 [sflag:s8], $0x0  }
0x24: {  	s3 =	sadd.s32 $0x88, s3;
	s6 =	simm.s32 @!p1 $0x1082;
	[sflag:s4] =	ssyncset.s32 $0xFFFFF086  }
0x25: {  	[simem:s6], [sflag:s4] =	dma.local [hbm:s3], $0xF7A  }
0x26: {  	[smem:$0x3F9F] =	sst s1;
	(tag) =	ssettag s2;
	_ =	strace s9  }
0x27: {  	s1 =	sld [smem:$0x3FAF]  }
0x28: {  	s2 =	sld [smem:$0x3FB0]  }
0x29: {  	s4 =	sld [smem:$0x3FB2]  }
0x2a: {  	p0 =	seq.s32 s5, $0x0;
	s5 =	sld [smem:$0x3FB3]  }
0x2b: {  	s6 =	sld [smem:$0x3FB4]  }
0x2c: {  	s7 =	sld [smem:$0x3FB5]  }
0x2d: {  	s3 =	simm.s32 $0x108;
	s8 =	sld [smem:$0x3FB6]  }
0x2e: {  	s3 =	simm.s32 @!p0 $0x1082;
	s9 =	sld [smem:$0x3FB7]  }
0x2f: {  	lr =	sadd.s32 s0, s3;
	s0 =	sld [smem:$0x3FAE]  }
0x30: {  	s3 =	sld [smem:$0x3FB1]  }
0x31: {  	[smem:$0x3FBA] =	sst s10  }
0x32: {  	s10 =	sld [smem:$0x3FB8];
	_ =	sdelay $0x3  }
0x33: {  	p0 =	seq.s32 s10, $0x1;
	s10 =	sld [smem:$0x3FBA];
	_ =	sdelay $0x3  }
0x34: {  	[smem:$0x3FBA] =	sst s10  }
0x35: {  	s10 =	sld [smem:$0x3FB9];
	_ =	sdelay $0x3  }
0x36: {  	p1 =	seq.s32 s10, $0x1;
	s10 =	sld [smem:$0x3FBA];
	_ =	sdelay $0x3  }
0x37: {  	[smem:$0x3FBA] =	sst s10  }
0x38: {  	s10 =	sld [smem:$0x3FBB]  }
0x39: {  	_ = 	snop;
	(pc) =	sbr.ind lr, $3  }
0x3a: {  	_ = 	snop  }
0x3b: {  	_ = 	snop  }
0x3c: {  	p2 =	seq.s32 s10, $0x1;
	s10 =	sld [smem:$0x3FBA]  }
0x3d: {  	_ =	shalt  }
0x3e: {  	_ =	shalt  }
0x3f: {  	_ =	shalt  }
0x40: {  	_ =	shalt  }
0x41: {  	_ =	shalt  }
0x42: {  	_ =	shalt  }
0x43: {  	_ =	shalt  }
0x44: {  	_ =	shalt  }
0x45: {  	_ =	shalt  }
0x46: {  	_ =	shalt  }
0x47: {  	_ =	shalt  }
0x48: {  	_ =	shalt  }
0x49: {  	_ =	shalt  }
0x4a: {  	_ =	shalt  }
0x4b: {  	_ =	shalt  }
0x4c: {  	_ =	shalt  }
0x4d: {  	_ =	shalt  }
0x4e: {  	_ =	shalt  }
0x4f: {  	_ =	shalt  }
0x50: {  	_ =	shalt  }
0x51: {  	_ =	shalt  }
0x52: {  	_ =	shalt  }
0x53: {  	_ =	shalt  }
0x54: {  	_ =	shalt  }
0x55: {  	_ =	shalt  }
0x56: {  	_ =	shalt  }
0x57: {  	_ =	shalt  }
0x58: {  	_ =	shalt  }
0x59: {  	_ =	shalt  }
0x5a: {  	_ =	shalt  }
0x5b: {  	_ =	shalt  }
0x5c: {  	_ =	shalt  }
0x5d: {  	_ =	shalt  }
0x5e: {  	_ =	shalt  }
0x5f: {  	_ =	shalt  }
0x60: {  	_ =	shalt  }
0x61: {  	_ =	shalt  }
0x62: {  	_ =	shalt  }
0x63: {  	_ =	shalt  }
0x64: {  	_ =	shalt  }
0x65: {  	_ =	shalt  }
0x66: {  	_ =	shalt  }
0x67: {  	_ =	shalt  }
0x68: {  	_ =	shalt  }
0x69: {  	_ =	shalt  }
0x6a: {  	_ =	shalt  }
0x6b: {  	_ =	shalt  }
0x6c: {  	_ =	shalt  }
0x6d: {  	_ =	shalt  }
0x6e: {  	_ =	shalt  }
0x6f: {  	_ =	shalt  }
0x70: {  	_ =	shalt  }
0x71: {  	_ =	shalt  }
0x72: {  	_ =	shalt  }
0x73: {  	_ =	shalt  }
0x74: {  	_ =	shalt  }
0x75: {  	_ =	shalt  }
0x76: {  	_ =	shalt  }
0x77: {  	_ =	shalt  }
0x78: {  	_ =	shalt  }
0x79: {  	_ =	shalt  }
0x7a: {  	_ =	shalt  }
0x7b: {  	_ =	shalt  }
0x7c: {  	_ =	shalt  }
0x7d: {  	_ =	shalt  }
0x7e: {  	_ =	shalt  }
0x7f: {  	_ =	shalt  }
0x80: {  	_ =	shalt  }
0x81: {  	_ =	shalt  }
0x82: {  	_ =	shalt  }
0x83: {  	_ =	shalt  }
0x84: {  	_ =	shalt  }
0x85: {  	_ =	shalt  }
0x86: {  	_ =	shalt  }
0x87: {  	_ =	shalt  }
.Lfunc_end0:
.L_simem_size_0:
called_computation.1_lowered:
.L_overlay_start_0:
0x88: {  	s2 =	sld [smem:$0x3FD9]  }
0x89: {  	s3 =	sld [smem:$0x3FFE];
	_ =	sdelay $0x1  }
0x8a: {  	s1 =	srdreg.scid  }
0x8b: {  	s0 =	sand.u32 $0x1, s1  }
0x8c: {  	s14 =	sshll.u32 s0, $0xA;
	s2 =	sadd.s32 s3, s2  }
0x8d: {  	s2 =	sadd.s32 s2, s14  }
0x8e: {  	[smem:$0x3FC6] =	sst s2  }
0x8f: {  	_ = 	snop  }
0x90: {  	s2 =	sld [smem:$0x3FD0];
	_ =	sdelay $0x2  }
0x91: {  	s15 =	simm.s32 $0xA;
	s4 =	simm.s32 $0x10  }
0x92: {  	[smem:s4], [sflag:s15] =	dma.local [hbm:s2], $0x1  }
0x93: {  	_ =	swait.eq [sflag:s15], $0x1  }
0x94: {  	[sflag:s15] =	ssyncset.done $0x0  }
0x95: {  	[sflag:s15] =	ssyncadd.s32 $0xFFFFFFFF  }
0x96: {  	s16 =	sld [smem:$0x10];
	(tm) =	ssettm $0x1  }
0x97: {  	s17 =	sld [smem:$0x3FFB];
	_ =	sdelay $0x3  }
0x98: {  	_ =	strace s17  }
0x99: {  	s3 =	sld [smem:$0x3FFC];
	_ =	sdelay $0x3  }
0x9a: {  	_ =	strace s3  }
0x9b: {  	s3 =	sld [smem:$0x3FFD];
	_ =	sdelay $0x3  }
0x9c: {  	_ =	strace s3  }
0x9d: {  	_ =	strace $0x8FFFFFFF  }
0x9e: {  	s18 =	sld [smem:$0x3FDB];
	_ =	sdelay $0x1  }
0x9f: {  	s19 =	simm.s32 $_scs_section_size  }
0xa0: {  	s5 =	simm.s32 $_size__tile_overlayer_lowered;
	s6 =	simm.s32 $_tile_overlayer_lowered  }
0xa1: {  	s22 =	simm.s32 $0x1BFF;
	s21 =	sshll.u32 s6, $0x1;
	s3 =	sadd.s32 s19, s18  }
0xa2: {  	s7 =	simm.s32 $0x0;
	s20 =	sshll.u32 s5, $0x1;
	s5 =	sadd.s32 s21, s3  }
0xa3: {  	[timem:s7], [sflag:s22] =	dma.local [hbm:s5], s20  }
0xa4: {  	_ =	swait.ge [sflag:s22], s20  }
0xa5: {  	s4 =	ssub.s32 $0x0, s20;
	[sflag:s22] =	ssyncset.done $0x0  }
0xa6: {  	[sflag:s22] =	ssyncadd.s32 s4;
	_ =	sdelay $0x1  }
0xa7: {  	s23 =	simm.s32 $0x1B8B  }
0xa8: {  	_ =	swait.ge [sflag:s23], $0x1  }
0xa9: {  	[sflag:s23] =	ssyncset.done $0x0  }
0xaa: {  	s25 =	simm.s32 $0x1B8E;
	s24 =	sld [smem:$0x3FFE];
	[sflag:s23] =	ssyncadd.s32 $0xFFFFFFFF  }
0xab: {  	s26 =	simm.s32 $execute0_lowered;
	[smem:$0x3FD2] =	sst s25  }
0xac: {  	s5 =	sshll.u32 s26, $0x1;
	_ =	strace $0x80000049;
	[dreg:$0x1] =	wrdreg $0xFFFFFFFF  }
0xad: {  	s28 =	simm.s32 $_size_execute0_lowered;
	s3 =	sadd.s32 s3, s5;
	[dreg:$0x0] =	wrdreg $0x0  }
0xae: {  	s5 =	sshll.u32 s28, $0x1;
	[dreg:$0x2] =	wrdreg s3  }
0xaf: {  	[dreg:$0x3] =	wrdreg s5  }
0xb0: {  	[dreg:$0x4] =	wrdreg $0xC0  }
0xb1: {  	_ =	task [dreg:s7], $0x5FFFF  }
0xb2: {  	[dreg:$0x1] =	wrdreg $0xFFFFFFFF  }
0xb3: {  	[dreg:$0x0] =	wrdreg $0x60  }
0xb4: {  	[dreg:$0x2] =	wrdreg s24  }
0xb5: {  	[dreg:$0x3] =	wrdreg s16  }
0xb6: {  	[dreg:$0x4] =	wrdreg $0x9  }
0xb7: {  	_ =	task.clear_ibuf [dreg:s7], $0x5FFFF;
	_ =	strace $0x90000049  }
0xb8: {  	s29 =	simm.s32 $0x9;
	_ =	strace $0x8000004B  }
0xb9: {  	_ =	swait.ge [sflag:s29], $0x1  }
0xba: {  	[sflag:s29] =	ssyncadd.s32 $0xFFFFFFFF  }
0xbb: {  	_ =	strace $0x9000004B  }
0xbc: {  	_ =	sfence  }
0xbd: {  	s30 =	sld [smem:$0x0];
	_ =	sdelay $0x2  }
0xbe: {  	s31 =	sshll.u32 s1, $0xD;
	s1 =	sshrl.u32 s1, $0x2  }
0xbf: {  	s3 =	sand.u32 $0x4000, s31;
	s1 =	sadd.s32 s1, s30  }
0xc0: {  	s0 =	sor.u32 s3, s0;
	s1 =	sshll.u32 s1, $0x11  }
0xc1: {  	s0 =	sor.u32 s1, s0  }
0xc2: {  	s0 =	sadd.s32 $0x8F2B, s0  }
0xc3: {  	[sflag:s0] =	ssyncadd.remote.s32 $0x1  }
0xc4: {  	_ =	sfence.sel $0xFFFF  }
0xc5: {  	[dreg:$0x0] =	wrdreg $0xFFFFFFFF;
	(pc) =	sbr.abs _section_cstart, $3  }
0xc6: {  	[dreg:$0x1] =	wrdreg $0xFFFFFFFF  }
0xc7: {  	_ =	task.clear_ibuf [dreg:s7], $0x2FFFF;
	_ =	strace $0x9FFFFFFF  }
0xc8: {  	(tm) =	ssettm $0x7FFFFFFF  }
0xc9: {  	_ =	shalt  }
tec
execute0_lowered:
.L_overlay_start_1:
0x0: {  	(tag) =	ssettag $0x1  }
0x1: {  	s0 =	rddreg [dreg:$0x0]  }
0x2: {  	s1 =	srdreg.scid;
	s12 =	stileid.u32  }
0x3: {  	s2 =	rddreg [dreg:$0x1];
	s4 =	simm.s32 $0x0;
	s15 =	simm.s32 $0x3800  }
0x4: {  	s17 =	simm.s32 $0x7800;
	s18 =	simm.s32 $0x1;
	s10 =	smul.u32 $0x3200, s12  }
0x5: {  	s1 =	sand.u32 $0x1, s1;
	s3 =	sshll.u32 s12, $0x1;
	s12 =	smul.u32 $0x19000, s12  }
0x6: {  	s28 =	simm.s32 $0x3;
	s30 =	simm.s32 $0x13800;
	s11 =	smul.u32 $0x1900, s1  }
0x7: {  	s3 =	sor.u32 s1, s3;
	s5 =	ssub.s32 $0x2, s1;
	s1 =	smul.u32 $0xC800, s1  }
0x8: {  	s31 =	simm.s32 $0x4;
	[smem:$0x7FF] =	sst s4;
	s21 =	smul.u32 $0x380, s3  }
0x9: {  	s4 =	sadd.s32 $0xC00, s0;
	_ =	strace $0x8000004A;
	s7 =	smul.u32 $0x32, s3  }
0xa: {  	s6 =	sshrl.u32 s5, $0x1;
	s9 =	smul.u32 $0xC800, s3;
	s25 =	sshll.u32 s3, $0x8  }
0xb: {  	s3 =	simm.s32 $0x0;
	s22 =	ssub.s32 s5, s6;
	s20 =	sadd.s32 s11, s10  }
0xc: {  	s8 =	sadd.s32 s21, s0;
	s24 =	sshll.u32 s7, $0x7;
	s7 =	sadd.s32 $0x2, s7  }
0xd: {  	s0 =	smax.u32 s22, $0x1;
	s26 =	sand.u32 $0x1FE000, s9;
	s21 =	simm.s32 $0x400  }
0xe: {  	s22 =	simm.s32 $0x2000;
	s23 =	sadd.s32 $0x7A1E00, s8;
	[dreg:$0x4] =	wrdreg s0  }
0xf: {  	s0 =	sand.u32 $0x300, s25;
	s8 =	sor.u32 $0x80, s24;
	s29 =	sshll.u32 s7, $0x7  }
0x10: {  	s7 =	sshll.u32 s7, $0xA;
	s25 =	sadd.s32 s1, s12;
	s12 =	simm.s32 $0x7  }
0x11: {  	s24 =	simm.s32 $0x2;
	s1 =	simm.s32 $0x5;
	[dreg:$0x3] =	wrdreg s23  }
.Ltmp0:
0x12: {  	s0 =	sadd.s32 s2, s0;
	s8 =	sand.u32 $0x380, s8;
	(pc) =	sbr.rel .LBB2_1-.Ltmp0, $4  }
0x13: {  	s9 =	sand.u32 $0x300, s29;
	s13 =	sand.u32 $0x3FE000, s7;
	s23 =	simm.s32 $0xF800  }
0x14: {  	s8 =	sadd.s32 s2, s8;
	s9 =	sadd.s32 s2, s9;
	s0 =	sadd.s32 s26, s0  }
0x15: {  	[dreg:$0x5] =	wrdreg s0;
	s8 =	sadd.s32 s26, s8;
	s9 =	sadd.s32 s13, s9  }
0x16: {  	s13 =	simm.s32 $0x80;
	s26 =	simm.s32 $0x11800;
	s0 =	simm.s32 $0x6  }
.LBB2_6:
0x17: {  	_ =	swait.ge [sflag:s0], $0x2000  }
0x18: {  	[sflag:s0] =	ssyncset.done $0x0  }
0x19: {  	[sflag:s0] =	ssyncadd.s32 $0xFFFFE000  }
0x1a: {  	_ =	swait.ge [sflag:s31], $0x2000  }
0x1b: {  	[sflag:s31] =	ssyncset.done $0x0  }
0x1c: {  	[sflag:s31] =	ssyncadd.s32 $0xFFFFE000  }
0x1d: {  	_ =	swait.ge [sflag:s1], $0x2000  }
0x1e: {  	s3 =	sadd.s32 $0x1, s3;
	s5 =	rddreg [dreg:$0x4]  }
0x1f: {  	p0 =	sne.s32 s3, s5  }
.Ltmp1:
0x20: {  	_ = 	snop;
	(pc) =	sbr.rel @!p0 .LBB2_7-.Ltmp1, $3  }
0x21: {  	_ =	sdelay $0x1  }
0x22: {  	[sflag:s1] =	ssyncset.done $0x0  }
0x23: {  	[sflag:s1] =	ssyncadd.s32 $0xFFFFE000  }
.LBB2_1:
0x24: {  	s5 =	simm.s32 $0x0;
	s6 =	rddreg [dreg:$0x3]  }
0x25: {  	[tilespmem:s5], [sflag:$0x7] =	stream.linear.gather [hbm4b:s6+s5], $0x1900, $0x38;
	[tilespmem:$0x15800] =	vst v63  }
0x26: {  	_ =	swait.ge [sflag:s12], $0x1900  }
0x27: {  	[sflag:s12] =	ssyncset.done $0x0  }
0x28: {  	s16 =	simm.s32 $0x0;
	[sflag:s12] =	ssyncadd.s32 $0xFFFFE700  }
0x29: {  	v1 =	vld [tilespmem:s16+$0x70]  }
0x2a: {  	v4 =	vld [tilespmem:s16+$0x0]  }
0x2b: {  	v5 =	vld [tilespmem:s16+$0x10]  }
0x2c: {  	v3 =	vld [tilespmem:s16+$0x20]  }
0x2d: {  	v2 =	vld [tilespmem:s16+$0x30]  }
0x2e: {  	v0 =	vld [tilespmem:s16+$0x40];
	v6 =	vshrl.u32 v1, $0x1  }
0x2f: {  	v1 =	vld [tilespmem:s16+$0x50];
	v4 =	vshrl.u32 v4, $0x1;
	[tilespmem:s16+$0x1C70] =	vst v6  }
0x30: {  	s14 =	simm.s32 $0x80;
	s10 =	simm.s32 $0x400;
	v5 =	vshrl.u32 v5, $0x1;
	[tilespmem:s16+$0x1C00] =	vst v4;
	v4 =	vld [tilespmem:s16+$0x60]  }
.LBB2_2:
0x31: {  	p0 =	sne.s32 s10, $0x6200;
	v6 =	vld [tilespmem:s14+$0x70];
	[tilespmem:s16+$0x1C10] =	vst v5;
	v3 =	vshrl.u32 v3, $0x1  }
0x32: {  	v5 =	vld [tilespmem:s14+$0x0];
	[tilespmem:s16+$0x1C20] =	vst v3;
	v2 =	vshrl.u32 v2, $0x1  }
0x33: {  	v7 =	vld [tilespmem:s14+$0x10];
	[tilespmem:s16+$0x1C30] =	vst v2;
	v0 =	vshrl.u32 v0, $0x1  }
.Ltmp2:
0x34: {  	v3 =	vld [tilespmem:s14+$0x20];
	[tilespmem:s16+$0x1C40] =	vst v0;
	v0 =	vshrl.u32 v1, $0x1;
	(pc) =	sbr.rel @p0 .LBB2_2-.Ltmp2, $4  }
0x35: {  	v2 =	vld [tilespmem:s14+$0x30];
	[tilespmem:s16+$0x1C50] =	vst v0;
	v1 =	vshrl.u32 v4, $0x1  }
0x36: {  	v0 =	vld [tilespmem:s14+$0x40];
	v4 =	vshrl.u32 v6, $0x1;
	[tilespmem:s16+$0x1C60] =	vst v1;
	s16 =	smov.u32 s14  }
0x37: {  	v5 =	vshrl.u32 v5, $0x1;
	v1 =	vld [tilespmem:s16+$0x50];
	[tilespmem:s16+$0x1C70] =	vst v4  }
0x38: {  	s14 =	sshra.s32 s10, $0x2;
	s10 =	sadd.s32 $0x200, s10;
	[tilespmem:s16+$0x1C00] =	vst v5;
	v5 =	vshrl.u32 v7, $0x1;
	v4 =	vld [tilespmem:s16+$0x60]  }
0x39: {  	v6 =	vld [tilespmem:s14+$0x70];
	[tilespmem:s16+$0x1C10] =	vst v5;
	v3 =	vshrl.u32 v3, $0x1  }
0x3a: {  	v5 =	vld [tilespmem:s14+$0x0];
	[tilespmem:s16+$0x1C20] =	vst v3;
	v2 =	vshrl.u32 v2, $0x1  }
0x3b: {  	v3 =	vld [tilespmem:s14+$0x10];
	[tilespmem:s16+$0x1C30] =	vst v2;
	v0 =	vshrl.u32 v0, $0x1  }
0x3c: {  	v2 =	vld [tilespmem:s14+$0x20];
	[tilespmem:s16+$0x1C40] =	vst v0;
	v51 =	vshrl.u32 v1, $0x1  }
0x3d: {  	v52 =	vld [tilespmem:s14+$0x30];
	[tilespmem:s16+$0x1C50] =	vst v51;
	v53 =	vshrl.u32 v4, $0x1  }
0x3e: {  	v54 =	vld [tilespmem:s14+$0x40];
	[tilespmem:s16+$0x1C60] =	vst v53;
	v55 =	vshrl.u32 v6, $0x1  }
0x3f: {  	v56 =	vld [tilespmem:s14+$0x50];
	v5 =	vshrl.u32 v5, $0x1;
	[tilespmem:s14+$0x1C70] =	vst v55  }
0x40: {  	v58 =	vld [tilespmem:s14+$0x60];
	[tilespmem:s14+$0x1C00] =	vst v5;
	v57 =	vshrl.u32 v3, $0x1  }
0x41: {  	[tilespmem:s14+$0x1C10] =	vst v57;
	v59 =	vshrl.u32 v2, $0x1  }
0x42: {  	[tilespmem:s14+$0x1C20] =	vst v59;
	v60 =	vshrl.u32 v52, $0x1  }
0x43: {  	[tilespmem:s14+$0x1C30] =	vst v60;
	v61 =	vshrl.u32 v54, $0x1  }
0x44: {  	[tilespmem:s14+$0x1C40] =	vst v61;
	v62 =	vshrl.u32 v56, $0x1  }
0x45: {  	v63 =	vshrl.u32 v58, $0x1;
	[tilespmem:s14+$0x1C50] =	vst v62  }
0x46: {  	s5 =	simm.s32 $0x1C00;
	[tilespmem:s14+$0x1C60] =	vst v63  }
0x47: {  	[tilespmem:s15], [sflag:$0x1] =	stream.indirect.gather [hbm4b:s4+s13], $0x80, s5, s13, $0xb8;
	[tilespmem:$0x15800] =	vst v63  }
0x48: {  	s11 =	simm.s32 $0x1C80  }
0x49: {  	[tilespmem:s17], [sflag:$0x2] =	stream.indirect.gather [hbm4b:s4+s13], $0x80, s11, s13, $0xb8;
	[tilespmem:$0x15800] =	vst v63  }
0x4a: {  	_ =	swait.ge [sflag:s18], $0x4000  }
0x4b: {  	[sflag:s18] =	ssyncset.done $0x0  }
0x4c: {  	s6 =	simm.s32 $0xB800;
	s14 =	simm.s32 $0x1D00;
	[sflag:s18] =	ssyncadd.s32 $0xFFFFC000  }
0x4d: {  	[tilespmem:s6], [sflag:$0x3] =	stream.indirect.gather [hbm4b:s4+s13], $0x80, s14, s13, $0xb8;
	[tilespmem:$0x15800] =	vst v63  }
0x4e: {  	s16 =	rddreg [dreg:$0x5]  }
0x4f: {  	[hbm4b:s16+s21] =	stream.strided.scatter [tilespmem:s23], [sflag:$0x4], $0x2000, s22, s21, $0x38;
	[tilespmem:$0x15800] =	vst v63  }
0x50: {  	_ =	swait.ge [sflag:s24], $0x4000  }
0x51: {  	[sflag:s24] =	ssyncset.done $0x0  }
0x52: {  	s19 =	simm.s32 $0x1D80;
	[sflag:s24] =	ssyncadd.s32 $0xFFFFC000  }
0x53: {  	[tilespmem:s15], [sflag:$0x1] =	stream.indirect.gather [hbm4b:s4+s13], $0x80, s19, s13, $0xb8;
	[tilespmem:$0x15800] =	vst v63  }
0x54: {  	_ = 	snop  }
0x55: {  	[hbm4b:s8+s21] =	stream.strided.scatter [tilespmem:s26], [sflag:$0x5], $0x2000, s22, s21, $0x38;
	[tilespmem:$0x15800] =	vst v63  }
0x56: {  	_ =	swait.ge [sflag:s28], $0x4000  }
0x57: {  	[sflag:s28] =	ssyncset.done $0x0  }
0x58: {  	s29 =	simm.s32 $0x1E00;
	[sflag:s28] =	ssyncadd.s32 $0xFFFFC000  }
0x59: {  	[tilespmem:s17], [sflag:$0x2] =	stream.indirect.gather [hbm4b:s4+s13], $0x80, s29, s13, $0xb8;
	[tilespmem:$0x15800] =	vst v63  }
0x5a: {  	s11 =	smov.u32 s25;
	s14 =	simm.s32 $0x0;
	s19 =	smov.u32 s20  }
0x5b: {  	[hbm4b:s9+s21] =	stream.strided.scatter [tilespmem:s30], [sflag:$0x6], $0x2000, s22, s21, $0x38;
	[tilespmem:$0x15800] =	vst v63  }
.LBB2_4:
0x5c: {  	_ =	swait.ge [sflag:s18], $0x4000  }
0x5d: {  	[sflag:s18] =	ssyncset.done $0x0  }
0x5e: {  	[sflag:s18] =	ssyncadd.s32 $0xFFFFC000  }
0x5f: {  	p0 =	seq.s32 s14, $0x5A00;
	_ =	swait.ge [sflag:s31], $0x2000  }
0x60: {  	s29 =	sshra.s32 @!p0 s14, $0x2;
	s5 =	simm.s32 @!p0 $0x80;
	[sflag:s31] =	ssyncset.done $0x0  }
0x61: {  	s16 =	simm.s32 @!p0 $0xB800;
	s10 =	sadd.s32 @!p0 $0x1E80, s29;
	[sflag:s31] =	ssyncadd.s32 $0xFFFFE000  }
0x62: {  	[tilespmem:s16], [sflag:$0x3] =	stream.indirect.gather @!p0 [hbm4b:s4+s5], $0x80, s10, s5, $0xb8;
	[tilespmem:$0x15800] =	vst v63  }
0x63: {  	s10 =	sadd.s32 $0x180, s19  }
0x64: {  	s16 =	sadd.s32 $0xC00, s11;
	s6 =	sand.u32 $0x380, s10  }
0x65: {  	s7 =	sand.u32 $0xFFFE000, s16;
	s6 =	sadd.s32 s2, s6  }
0x66: {  	s6 =	sadd.s32 s7, s6  }
0x67: {  	[hbm4b:s6+s21] =	stream.strided.scatter [tilespmem:s23], [sflag:$0x4], $0x2000, s22, s21, $0x38;
	[tilespmem:$0x15800] =	vst v63  }
0x68: {  	_ =	swait.ge [sflag:s24], $0x4000  }
0x69: {  	[sflag:s24] =	ssyncset.done $0x0  }
0x6a: {  	[sflag:s24] =	ssyncadd.s32 $0xFFFFC000  }
0x6b: {  	_ =	swait.ge [sflag:s1], $0x2000  }
0x6c: {  	[sflag:s1] =	ssyncset.done $0x0  }
0x6d: {  	s7 =	simm.s32 @!p0 $0x3800;
	s6 =	sadd.s32 @!p0 $0x1F00, s29;
	[sflag:s1] =	ssyncadd.s32 $0xFFFFE000  }
0x6e: {  	[tilespmem:s7], [sflag:$0x1] =	stream.indirect.gather @!p0 [hbm4b:s4+s5], $0x80, s6, s5, $0xb8;
	[tilespmem:$0x15800] =	vst v63  }
.Ltmp3:
0x6f: {  	s7 =	sadd.s32 $0x200, s19;
	(pc) =	sbr.rel @p0 .LBB2_6-.Ltmp3, $4  }
0x70: {  	s29 =	sadd.s32 $0x1000, s11;
	s5 =	sand.u32 $0x380, s7  }
0x71: {  	s6 =	sand.u32 $0xFFFE000, s29;
	s5 =	sadd.s32 s2, s5  }
0x72: {  	s5 =	sadd.s32 s6, s5  }
0x73: {  	[hbm4b:s5+s21] =	stream.strided.scatter [tilespmem:s26], [sflag:$0x5], $0x2000, s22, s21, $0x38;
	[tilespmem:$0x15800] =	vst v63  }
0x74: {  	_ =	swait.ge [sflag:s28], $0x4000  }
0x75: {  	[sflag:s28] =	ssyncset.done $0x0  }
0x76: {  	[sflag:s28] =	ssyncadd.s32 $0xFFFFC000  }
0x77: {  	_ =	swait.ge [sflag:s0], $0x2000  }
0x78: {  	s5 =	sshra.s32 s14, $0x2;
	[sflag:s0] =	ssyncset.done $0x0  }
0x79: {  	s5 =	sadd.s32 $0x1F80, s5;
	[sflag:s0] =	ssyncadd.s32 $0xFFFFE000  }
0x7a: {  	[tilespmem:s17], [sflag:$0x2] =	stream.indirect.gather [hbm4b:s4+s13], $0x80, s5, s13, $0xb8;
	[tilespmem:$0x15800] =	vst v63  }
.Ltmp4:
0x7b: {  	s29 =	sadd.s32 $0x280, s19;
	(pc) =	sbr.rel .LBB2_4-.Ltmp4, $4  }
0x7c: {  	s6 =	sadd.s32 $0x1400, s11;
	s5 =	sand.u32 $0x380, s29  }
0x7d: {  	s14 =	sadd.s32 $0x600, s14;
	s6 =	sand.u32 $0xFFFE000, s6;
	s5 =	sadd.s32 s2, s5  }
0x7e: {  	s11 =	smov.u32 s16;
	s19 =	smov.u32 s10;
	s5 =	sadd.s32 s6, s5  }
0x7f: {  	[hbm4b:s5+s21] =	stream.strided.scatter [tilespmem:s30], [sflag:$0x6], $0x2000, s22, s21, $0x38;
	[tilespmem:$0x15800] =	vst v63  }
.LBB2_7:
0x80: {  	_ =	sfence.sel $0x180000  }
0x81: {  	[bflag:$0x0] =	sbarrier.arrive $0xFFFF  }
0x82: {  	_ =	strace $0x9000004A  }
0x83: {  	s0 =	stileid.u32;
	[bflag:$0x2] =	sbarrier.arrive $0xFFFF  }
0x84: {  	p0 =	sne.s32 s0, $0x0;
	s0 =	rddreg [dreg:$0x2]  }
0x85: {  	s0 =	sadd.s32 @!p0 $0x100000, s0  }
0x86: {  	[sflag:s0] =	ssyncadd.tile.s32 @!p0 $0x1;
	_ =	shalt  }
.Lfunc_end2:
_tile_overlayer_lowered:
.L_overlay_start_2:
0x87: {  	(tag) =	ssettag $0x2  }
0x88: {  	s0 =	rddreg [dreg:$0x0];
	s2 =	stileid.u32  }
0x89: {  	s1 =	rddreg [dreg:$0x1];
	p0 =	sne.s32 s2, $0x0  }
0x8a: {  	s3 =	rddreg [dreg:$0x2];
	[bflag:$0x3] =	sbarrier.arrive $0xFFFF;
	s2 =	simm.s32 @!p0 $0x1C07  }
0x8b: {  	[timem:s3], [sflag:s2] =	dma.local @!p0 [hbm:s0], s1  }
0x8c: {  	s0 =	simm.s32 @!p0 $0x7  }
0x8d: {  	_ =	swait.ge @!p0 [sflag:s0], s1  }
0x8e: {  	s1 =	ssub.s32 @!p0 $0x0, s1;
	[sflag:s0] =	ssyncset.done @!p0 $0x0  }
0x8f: {  	[sflag:s0] =	ssyncadd.s32 @!p0 s1  }
0x90: {  	[bflag:$0x3] =	sbarrier.arrive $0xFFFF  }
0x91: {  	_ =	shalt  }

</sc_bundles>
